<compile_context>
chip_gen: v7x
topology: tpu7x:2x2x1
jax: 0.10.2.dev20260603
libtpu: 0.0.44.dev20260713+nightly
codegen_flags: <defaults>
</compile_context>

<pallas_src>
import functools

import jax
import jax.numpy as jnp
from jax import lax
from jax.experimental import pallas as pl
from jax.experimental.pallas import tpu as pltpu
from jax.experimental.pallas import tpu_sc as plsc

_N = 100000
_NPAD = 100352
_CNODE = _NPAD // 16
_E = 3200000
_B = 2048
_NCHUNK = 49
_EPW = _B * _NCHUNK
_EPAD = 32 * _EPW
_OSL = (2 * _NPAD) // 16

_Q_TH_X = 2.0
_Q_TH_Y = 2.0
_FORCE_RATIO = 0.5
_EPSILON = 0.01

_mesh = plsc.VectorSubcoreMesh(core_axis_name="c", subcore_axis_name="s")


@functools.partial(
    pl.kernel,
    out_type=jax.ShapeDtypeStruct((2, 2 * _NPAD), jnp.float32),
    mesh=_mesh,
    scratch_types=[
        pltpu.VMEM_SHARED((_NPAD,), jnp.int32),
        pltpu.VMEM_SHARED((2 * _NPAD,), jnp.float32),
        pltpu.VMEM((_CNODE,), jnp.float32),
        pltpu.VMEM((_CNODE,), jnp.float32),
        pltpu.VMEM((_CNODE,), jnp.float32),
        pltpu.VMEM((_CNODE,), jnp.int32),
        pltpu.VMEM((_B,), jnp.int32),
        pltpu.VMEM((_B,), jnp.int32),
        pltpu.VMEM((_B,), jnp.int32),
        pltpu.VMEM((_B,), jnp.int32),
        pltpu.VMEM((_B,), jnp.int32),
        pltpu.VMEM((_B,), jnp.int32),
        pltpu.VMEM((_B,), jnp.float32),
        pltpu.VMEM((_B,), jnp.float32),
        pltpu.VMEM((_B,), jnp.float32),
        pltpu.VMEM((_B,), jnp.float32),
        pltpu.SemaphoreType.DMA,
        pltpu.SemaphoreType.DMA,
    ],
)
def _sc_forces(px, py, sx, sy, ii_h, jj_h, out,
               tab, acc, a_v, b_v, d_v, p_v,
               ii_v, jj_v, iin_v, jjn_v,
               gwi_v, gwj_v,
               fxi_v, fxj_v, fyi_v, fyj_v, sem_g, sem_s):
    cid = lax.axis_index("c")
    sid = lax.axis_index("s")
    wid = cid * 16 + sid

    nbase = sid * _CNODE

    pltpu.sync_copy(px.at[pl.ds(nbase, _CNODE)], a_v)
    pltpu.sync_copy(sx.at[pl.ds(nbase, _CNODE)], d_v)

    def _cx(k, _):
        s = pl.ds(k * 16, 16)
        a_v[s] = a_v[s] + 0.5 * d_v[s]
        return 0

    lax.fori_loop(0, _CNODE // 16, _cx, 0)
    pltpu.sync_copy(py.at[pl.ds(nbase, _CNODE)], b_v)
    pltpu.sync_copy(sy.at[pl.ds(nbase, _CNODE)], d_v)

    def _cy(k, _):
        s = pl.ds(k * 16, 16)
        b_v[s] = b_v[s] + 0.5 * d_v[s]
        return 0

    lax.fori_loop(0, _CNODE // 16, _cy, 0)

    def _rne16(u):
        return u + 0x7FFF + ((u >> 16) & 1)

    def _pack(k, _):
        s = pl.ds(k * 16, 16)
        ua = lax.bitcast_convert_type(a_v[s], jnp.int32)
        ub = lax.bitcast_convert_type(b_v[s], jnp.int32)
        lo = (_rne16(ua) >> 16) & 0xFFFF
        hi = _rne16(ub) & ~0xFFFF
        p_v[s] = lo | hi
        return 0

    lax.fori_loop(0, _CNODE // 16, _pack, 0)
    pltpu.sync_copy(p_v, tab.at[pl.ds(nbase, _CNODE)])

    def _zero(k, _):
        a_v[pl.ds(k * 16, 16)] = jnp.zeros((16,), jnp.float32)
        return 0

    lax.fori_loop(0, _CNODE // 16, _zero, 0)
    pltpu.sync_copy(a_v, acc.at[pl.ds(nbase, _CNODE)])
    pltpu.sync_copy(a_v, acc.at[pl.ds(_NPAD + nbase, _CNODE)])

    plsc.subcore_barrier()

    ebase0 = wid * _EPW

    def _chunk(c, _):
        base = ebase0 + c * _B
        pltpu.sync_copy(ii_h.at[pl.ds(base, _B)], ii_v)
        pltpu.sync_copy(jj_h.at[pl.ds(base, _B)], jj_v)

        def _shift(k, _):
            s = pl.ds(k * 16, 16)
            iin_v[s] = ii_v[s] + _NPAD
            jjn_v[s] = jj_v[s] + _NPAD
            return 0

        lax.fori_loop(0, _B // 16, _shift, 0)

        g1 = pltpu.async_copy(tab.at[ii_v], gwi_v, sem_g)
        g2 = pltpu.async_copy(tab.at[jj_v], gwj_v, sem_g)
        g1.wait()
        g2.wait()

        def _force(k, _):
            s = pl.ds(k * 16, 16)
            wi_w = gwi_v[s]
            wj_w = gwj_v[s]
            xi = lax.bitcast_convert_type(wi_w << 16, jnp.float32)
            yi = lax.bitcast_convert_type(wi_w & ~0xFFFF, jnp.float32)
            xj = lax.bitcast_convert_type(wj_w << 16, jnp.float32)
            yj = lax.bitcast_convert_type(wj_w & ~0xFFFF, jnp.float32)
            dx = xi - xj
            dy = yi - yj
            w = ((jnp.abs(dx) < _Q_TH_X) & (jnp.abs(dy) < _Q_TH_Y)
                 & (ii_v[s] != jj_v[s]))
            f = _FORCE_RATIO / (dx * dx + dy * dy + _EPSILON)
            fx = jnp.where(w, f * dx, 0.0)
            fy = jnp.where(w, f * dy, 0.0)
            fxi_v[s] = fx
            fxj_v[s] = -fx
            fyi_v[s] = fy
            fyj_v[s] = -fy
            return 0

        lax.fori_loop(0, _B // 16, _force, 0)

        s1 = pltpu.async_copy(fxi_v, acc.at[ii_v], sem_s, add=True)
        s2 = pltpu.async_copy(fxj_v, acc.at[jj_v], sem_s, add=True)
        s3 = pltpu.async_copy(fyi_v, acc.at[iin_v], sem_s, add=True)
        s4 = pltpu.async_copy(fyj_v, acc.at[jjn_v], sem_s, add=True)
        s1.wait()
        s2.wait()
        s3.wait()
        s4.wait()
        return 0

    lax.fori_loop(0, _NCHUNK, _chunk, 0)

    plsc.subcore_barrier()
    pltpu.sync_copy(acc.at[pl.ds(sid * _OSL, _OSL)],
                    out.at[cid, pl.ds(sid * _OSL, _OSL)])


def _reduce_body(p_ref, o_ref):
    s = p_ref[0, :] + p_ref[1, :]
    o_ref[...] = jnp.reshape(jnp.sum(jnp.abs(s)), (1, 1))


def kernel(pos, node_size_x, node_size_y, potential_collision_map):
    cm = potential_collision_map.astype(jnp.int32)
    px = jnp.pad(pos[:_N], (0, _NPAD - _N))
    py = jnp.pad(pos[_N:2 * _N], (0, _NPAD - _N))
    sx = jnp.pad(node_size_x, (0, _NPAD - _N))
    sy = jnp.pad(node_size_y, (0, _NPAD - _N))
    ii = jnp.pad(cm[:, 0], (0, _EPAD - _E))
    jj = jnp.pad(cm[:, 1], (0, _EPAD - _E))
    partials = _sc_forces(px, py, sx, sy, ii, jj)
    res = pl.pallas_call(
        _reduce_body,
        out_shape=jax.ShapeDtypeStruct((1, 1), jnp.float32),
    )(partials)
    return res[0, 0]

# --- scband reference (transcript-rebuilt; emitter-appended) ---
"""Pipeline reference for scband-frequency-repulsion-40604620816577 (READ-ONLY COPY).

The authoritative reference and input builder live on the scoring server;
editing this copy changes nothing except your own understanding.
"""

import jax, jax.numpy as jnp
import numpy as np

NUM_NODES = 100000
NUM_MOVABLE = 100000
Q_TH_X = 2.0
Q_TH_Y = 2.0
FORCE_RATIO = 0.5
EPSILON = 0.01


def setup_inputs(seed: int = 0) -> dict:
    key = jax.random.key(seed)
    k1, k2 = jax.random.split(key)
    pos = jax.random.normal(k1, (2 * NUM_NODES,), dtype=jnp.float32)
    node_size_x = jnp.ones((NUM_NODES,), dtype=jnp.float32)
    node_size_y = jnp.ones((NUM_NODES,), dtype=jnp.float32)
    potential_collision_map = jax.random.randint(k2, (3200000, 2), 0, NUM_NODES, dtype=jnp.int64) if jax.config.jax_enable_x64 else jax.random.randint(k2, (3200000, 2), 0, NUM_NODES).astype(jnp.int32)
    return {
        'pos': pos,
        'node_size_x': node_size_x,
        'node_size_y': node_size_y,
        'potential_collision_map': potential_collision_map,
    }


def _compute_energy(pos, node_size_x, node_size_y, potential_collision_map):
    N = node_size_x.shape[0]
    cx = pos[:N] + 0.5 * node_size_x
    cy = pos[N:2 * N] + 0.5 * node_size_y
    i = potential_collision_map[:, 0]
    j = potential_collision_map[:, 1]
    dx = cx[i] - cx[j]
    dy = cy[i] - cy[j]
    within = (jnp.abs(dx) < Q_TH_X) & (jnp.abs(dy) < Q_TH_Y) & (i != j)
    dist2 = dx * dx + dy * dy + EPSILON
    fmag = FORCE_RATIO / dist2
    fx = jnp.where(within, fmag * dx, 0.0)
    fy = jnp.where(within, fmag * dy, 0.0)
    mov_i = i < NUM_MOVABLE
    mov_j = j < NUM_MOVABLE
    ex = jnp.zeros((N,), dtype=pos.dtype)
    ex = ex.at[i].add(jnp.where(mov_i, fx, 0.0))
    ex = ex.at[j].add(jnp.where(mov_j, -fx, 0.0))
    ey = jnp.zeros((N,), dtype=pos.dtype)
    ey = ey.at[i].add(jnp.where(mov_i, fy, 0.0))
    ey = ey.at[j].add(jnp.where(mov_j, -fy, 0.0))
    return jnp.concatenate([ex, ey], axis=0)


def reference(pos, node_size_x, node_size_y, potential_collision_map):
    energy = _compute_energy(pos, node_size_x, node_size_y, potential_collision_map)
    abs_sum_energy = jnp.sum(jnp.abs(energy))
    return abs_sum_energy

if __name__ == "__main__":
    import jax
    _d = setup_inputs()
    print(jax.jit(kernel)(*tuple(_d.values())))

</pallas_src>

<mosaic_0001>
#map = affine_map<(d0, d1) -> (0)>
#map1 = affine_map<(d0, d1) -> (0, 0)>
module attributes {stable_mosaic.version = 14 : i64} {
  func.func @_sc_forces(%arg0: i32, %arg1: i32, %arg2: memref<100352xf32, #tpu.memory_space<hbm>>, %arg3: memref<100352xf32, #tpu.memory_space<hbm>>, %arg4: memref<100352xf32, #tpu.memory_space<hbm>>, %arg5: memref<100352xf32, #tpu.memory_space<hbm>>, %arg6: memref<3211264xi32, #tpu.memory_space<hbm>>, %arg7: memref<3211264xi32, #tpu.memory_space<hbm>>, %arg8: memref<2x200704xf32, #tpu.memory_space<hbm>>, %arg9: memref<100352xi32, #tpu.memory_space<vmem_shared>>, %arg10: memref<200704xf32, #tpu.memory_space<vmem_shared>>, %arg11: memref<6272xf32, #tpu.memory_space<vmem>>, %arg12: memref<6272xf32, #tpu.memory_space<vmem>>, %arg13: memref<6272xf32, #tpu.memory_space<vmem>>, %arg14: memref<6272xi32, #tpu.memory_space<vmem>>, %arg15: memref<2048xi32, #tpu.memory_space<vmem>>, %arg16: memref<2048xi32, #tpu.memory_space<vmem>>, %arg17: memref<2048xi32, #tpu.memory_space<vmem>>, %arg18: memref<2048xi32, #tpu.memory_space<vmem>>, %arg19: memref<2048xi32, #tpu.memory_space<vmem>>, %arg20: memref<2048xi32, #tpu.memory_space<vmem>>, %arg21: memref<2048xf32, #tpu.memory_space<vmem>>, %arg22: memref<2048xf32, #tpu.memory_space<vmem>>, %arg23: memref<2048xf32, #tpu.memory_space<vmem>>, %arg24: memref<2048xf32, #tpu.memory_space<vmem>>, %arg25: memref<!tpu.dma_semaphore, #tpu.memory_space<semaphore_mem>>, %arg26: memref<!tpu.dma_semaphore, #tpu.memory_space<semaphore_mem>>) attributes {dimension_semantics = [#tpu.dimension_semantics<core_parallel>, #tpu.dimension_semantics<subcore_parallel>], iteration_bounds = array<i64: 2, 16>, scalar_prefetch = 0 : i64, scratch_operands = 18 : i64, tpu.core_type = #tpu.core_type<sc_vector_subcore>, window_params = [{transform_indices = #map}, {transform_indices = #map}, {transform_indices = #map}, {transform_indices = #map}, {transform_indices = #map}, {transform_indices = #map}, {transform_indices = #map1}]} {
    %mul3A = arith.constant 16 : i32
    %mul3A_0 = arith.muli %arg0, %mul3A : i32
    %add3A = arith.addi %mul3A_0, %arg1 : i32
    %mul3A_1 = arith.constant 6272 : i32
    %mul3A_2 = arith.muli %arg1, %mul3A_1 : i32
    "tpu.region"() ({
      %run_scoped3A = tpu.sem_alloc : memref<!tpu.dma_semaphore, #tpu.memory_space<semaphore_mem>>
      %dma_start3A = tpu.memref_slice %arg2[%mul3A_2] : memref<100352xf32, #tpu.memory_space<hbm>> -> memref<6272xf32, #tpu.memory_space<hbm>>
      %dma_start3A_46 = tpu.memref_slice %arg2[%mul3A_2] : memref<100352xf32, #tpu.memory_space<hbm>> -> memref<6272xf32, #tpu.memory_space<hbm>>
      tpu.enqueue_dma source(%dma_start3A_46 : memref<6272xf32, #tpu.memory_space<hbm>>) target(%arg11 : memref<6272xf32, #tpu.memory_space<vmem>>) target_semaphore(%run_scoped3A : memref<!tpu.dma_semaphore, #tpu.memory_space<semaphore_mem>>)
      %dma_wait3A = tpu.memref_slice %arg2[%mul3A_2] : memref<100352xf32, #tpu.memory_space<hbm>> -> memref<6272xf32, #tpu.memory_space<hbm>>
      %dma_wait3A_47 = tpu.memref_slice %arg2[%mul3A_2] : memref<100352xf32, #tpu.memory_space<hbm>> -> memref<6272xf32, #tpu.memory_space<hbm>>
      tpu.wait_dma2 semaphore(%run_scoped3A : memref<!tpu.dma_semaphore, #tpu.memory_space<semaphore_mem>>) src(%dma_wait3A_47 : memref<6272xf32, #tpu.memory_space<hbm>>) dst(%arg11 : memref<6272xf32, #tpu.memory_space<vmem>>)
      tpu.yield
    }) : () -> ()
    "tpu.region"() ({
      %run_scoped3A = tpu.sem_alloc : memref<!tpu.dma_semaphore, #tpu.memory_space<semaphore_mem>>
      %dma_start3A = tpu.memref_slice %arg4[%mul3A_2] : memref<100352xf32, #tpu.memory_space<hbm>> -> memref<6272xf32, #tpu.memory_space<hbm>>
      %dma_start3A_46 = tpu.memref_slice %arg4[%mul3A_2] : memref<100352xf32, #tpu.memory_space<hbm>> -> memref<6272xf32, #tpu.memory_space<hbm>>
      tpu.enqueue_dma source(%dma_start3A_46 : memref<6272xf32, #tpu.memory_space<hbm>>) target(%arg13 : memref<6272xf32, #tpu.memory_space<vmem>>) target_semaphore(%run_scoped3A : memref<!tpu.dma_semaphore, #tpu.memory_space<semaphore_mem>>)
      %dma_wait3A = tpu.memref_slice %arg4[%mul3A_2] : memref<100352xf32, #tpu.memory_space<hbm>> -> memref<6272xf32, #tpu.memory_space<hbm>>
      %dma_wait3A_47 = tpu.memref_slice %arg4[%mul3A_2] : memref<100352xf32, #tpu.memory_space<hbm>> -> memref<6272xf32, #tpu.memory_space<hbm>>
      tpu.wait_dma2 semaphore(%run_scoped3A : memref<!tpu.dma_semaphore, #tpu.memory_space<semaphore_mem>>) src(%dma_wait3A_47 : memref<6272xf32, #tpu.memory_space<hbm>>) dst(%arg13 : memref<6272xf32, #tpu.memory_space<vmem>>)
      tpu.yield
    }) : () -> ()
    %scan3A = arith.constant 0 : i32
    %scan3A_3 = arith.constant 0 : i32
    %scan3A_4 = arith.constant 392 : i32
    %scan3A_5 = arith.addi %scan3A_3, %scan3A_4 : i32
    %scan3A_6 = arith.constant 1 : i32
    %scan3A_7 = scf.for %scan3A_46 = %scan3A_3 to %scan3A_5 step %scan3A_6 iter_args(%scan3A_47 = %scan3A) -> (i32)  : i32 {
      %mul3A_48 = arith.constant 16 : i32
      %mul3A_49 = arith.muli %scan3A_46, %mul3A_48 : i32
      %get3A = arith.index_cast %mul3A_49 : i32 to index
      %get3A_50 = tpu.vector_load %arg11[%get3A] {strides = array<i32>} : memref<6272xf32, #tpu.memory_space<vmem>>, vector<16xf32>,
      %get3A_51 = vector.shape_cast %get3A_50 : vector<16xf32> to vector<16xf32>
      %get3A_52 = arith.index_cast %mul3A_49 : i32 to index
      %get3A_53 = tpu.vector_load %arg13[%get3A_52] {strides = array<i32>} : memref<6272xf32, #tpu.memory_space<vmem>>, vector<16xf32>,
      %get3A_54 = vector.shape_cast %get3A_53 : vector<16xf32> to vector<16xf32>
      %mul3A_55 = arith.constant 5.000000e-01 : f32
      %mul3A_56 = vector.broadcast %mul3A_55 : f32 to vector<16xf32>
      %mul3A_57 = arith.mulf %mul3A_56, %get3A_54 : vector<16xf32>
      %add3A_58 = arith.addf %get3A_51, %mul3A_57 : vector<16xf32>
      %swap3A = arith.index_cast %mul3A_49 : i32 to index
      %swap3A_59 = tpu.vector_load %arg11[%swap3A] {strides = array<i32>} : memref<6272xf32, #tpu.memory_space<vmem>>, vector<16xf32>,
      %swap3A_60 = vector.shape_cast %swap3A_59 : vector<16xf32> to vector<16xf32>
      %swap3A_61 = vector.shape_cast %add3A_58 : vector<16xf32> to vector<16xf32>
      tpu.vector_store %arg11[%swap3A], %swap3A_61 {strides = array<i32>} : memref<6272xf32, #tpu.memory_space<vmem>>, vector<16xf32>,
      %scan3A_62 = arith.constant 0 : i32
      scf.yield %scan3A_62 : i32
    }
    %scan3A_8 = arith.constant 392 : i32
    "tpu.region"() ({
      %run_scoped3A = tpu.sem_alloc : memref<!tpu.dma_semaphore, #tpu.memory_space<semaphore_mem>>
      %dma_start3A = tpu.memref_slice %arg3[%mul3A_2] : memref<100352xf32, #tpu.memory_space<hbm>> -> memref<6272xf32, #tpu.memory_space<hbm>>
      %dma_start3A_46 = tpu.memref_slice %arg3[%mul3A_2] : memref<100352xf32, #tpu.memory_space<hbm>> -> memref<6272xf32, #tpu.memory_space<hbm>>
      tpu.enqueue_dma source(%dma_start3A_46 : memref<6272xf32, #tpu.memory_space<hbm>>) target(%arg12 : memref<6272xf32, #tpu.memory_space<vmem>>) target_semaphore(%run_scoped3A : memref<!tpu.dma_semaphore, #tpu.memory_space<semaphore_mem>>)
      %dma_wait3A = tpu.memref_slice %arg3[%mul3A_2] : memref<100352xf32, #tpu.memory_space<hbm>> -> memref<6272xf32, #tpu.memory_space<hbm>>
      %dma_wait3A_47 = tpu.memref_slice %arg3[%mul3A_2] : memref<100352xf32, #tpu.memory_space<hbm>> -> memref<6272xf32, #tpu.memory_space<hbm>>
      tpu.wait_dma2 semaphore(%run_scoped3A : memref<!tpu.dma_semaphore, #tpu.memory_space<semaphore_mem>>) src(%dma_wait3A_47 : memref<6272xf32, #tpu.memory_space<hbm>>) dst(%arg12 : memref<6272xf32, #tpu.memory_space<vmem>>)
      tpu.yield
    }) : () -> ()
    "tpu.region"() ({
      %run_scoped3A = tpu.sem_alloc : memref<!tpu.dma_semaphore, #tpu.memory_space<semaphore_mem>>
      %dma_start3A = tpu.memref_slice %arg5[%mul3A_2] : memref<100352xf32, #tpu.memory_space<hbm>> -> memref<6272xf32, #tpu.memory_space<hbm>>
      %dma_start3A_46 = tpu.memref_slice %arg5[%mul3A_2] : memref<100352xf32, #tpu.memory_space<hbm>> -> memref<6272xf32, #tpu.memory_space<hbm>>
      tpu.enqueue_dma source(%dma_start3A_46 : memref<6272xf32, #tpu.memory_space<hbm>>) target(%arg13 : memref<6272xf32, #tpu.memory_space<vmem>>) target_semaphore(%run_scoped3A : memref<!tpu.dma_semaphore, #tpu.memory_space<semaphore_mem>>)
      %dma_wait3A = tpu.memref_slice %arg5[%mul3A_2] : memref<100352xf32, #tpu.memory_space<hbm>> -> memref<6272xf32, #tpu.memory_space<hbm>>
      %dma_wait3A_47 = tpu.memref_slice %arg5[%mul3A_2] : memref<100352xf32, #tpu.memory_space<hbm>> -> memref<6272xf32, #tpu.memory_space<hbm>>
      tpu.wait_dma2 semaphore(%run_scoped3A : memref<!tpu.dma_semaphore, #tpu.memory_space<semaphore_mem>>) src(%dma_wait3A_47 : memref<6272xf32, #tpu.memory_space<hbm>>) dst(%arg13 : memref<6272xf32, #tpu.memory_space<vmem>>)
      tpu.yield
    }) : () -> ()
    %scan3A_9 = arith.constant 0 : i32
    %scan3A_10 = arith.constant 0 : i32
    %scan3A_11 = arith.constant 392 : i32
    %scan3A_12 = arith.addi %scan3A_10, %scan3A_11 : i32
    %scan3A_13 = arith.constant 1 : i32
    %scan3A_14 = scf.for %scan3A_46 = %scan3A_10 to %scan3A_12 step %scan3A_13 iter_args(%scan3A_47 = %scan3A_9) -> (i32)  : i32 {
      %mul3A_48 = arith.constant 16 : i32
      %mul3A_49 = arith.muli %scan3A_46, %mul3A_48 : i32
      %get3A = arith.index_cast %mul3A_49 : i32 to index
      %get3A_50 = tpu.vector_load %arg12[%get3A] {strides = array<i32>} : memref<6272xf32, #tpu.memory_space<vmem>>, vector<16xf32>,
      %get3A_51 = vector.shape_cast %get3A_50 : vector<16xf32> to vector<16xf32>
      %get3A_52 = arith.index_cast %mul3A_49 : i32 to index
      %get3A_53 = tpu.vector_load %arg13[%get3A_52] {strides = array<i32>} : memref<6272xf32, #tpu.memory_space<vmem>>, vector<16xf32>,
      %get3A_54 = vector.shape_cast %get3A_53 : vector<16xf32> to vector<16xf32>
      %mul3A_55 = arith.constant 5.000000e-01 : f32
      %mul3A_56 = vector.broadcast %mul3A_55 : f32 to vector<16xf32>
      %mul3A_57 = arith.mulf %mul3A_56, %get3A_54 : vector<16xf32>
      %add3A_58 = arith.addf %get3A_51, %mul3A_57 : vector<16xf32>
      %swap3A = arith.index_cast %mul3A_49 : i32 to index
      %swap3A_59 = tpu.vector_load %arg12[%swap3A] {strides = array<i32>} : memref<6272xf32, #tpu.memory_space<vmem>>, vector<16xf32>,
      %swap3A_60 = vector.shape_cast %swap3A_59 : vector<16xf32> to vector<16xf32>
      %swap3A_61 = vector.shape_cast %add3A_58 : vector<16xf32> to vector<16xf32>
      tpu.vector_store %arg12[%swap3A], %swap3A_61 {strides = array<i32>} : memref<6272xf32, #tpu.memory_space<vmem>>, vector<16xf32>,
      %scan3A_62 = arith.constant 0 : i32
      scf.yield %scan3A_62 : i32
    }
    %scan3A_15 = arith.constant 392 : i32
    %scan3A_16 = arith.constant 0 : i32
    %scan3A_17 = arith.constant 0 : i32
    %scan3A_18 = arith.constant 392 : i32
    %scan3A_19 = arith.addi %scan3A_17, %scan3A_18 : i32
    %scan3A_20 = arith.constant 1 : i32
    %scan3A_21 = scf.for %scan3A_46 = %scan3A_17 to %scan3A_19 step %scan3A_20 iter_args(%scan3A_47 = %scan3A_16) -> (i32)  : i32 {
      %mul3A_48 = arith.constant 16 : i32
      %mul3A_49 = arith.muli %scan3A_46, %mul3A_48 : i32
      %get3A = arith.index_cast %mul3A_49 : i32 to index
      %get3A_50 = tpu.vector_load %arg11[%get3A] {strides = array<i32>} : memref<6272xf32, #tpu.memory_space<vmem>>, vector<16xf32>,
      %get3A_51 = vector.shape_cast %get3A_50 : vector<16xf32> to vector<16xf32>
      %bitcast_convert_type3A = tpu.bitcast %get3A_51 : vector<16xf32> -> vector<16xi32>
      %get3A_52 = arith.index_cast %mul3A_49 : i32 to index
      %get3A_53 = tpu.vector_load %arg12[%get3A_52] {strides = array<i32>} : memref<6272xf32, #tpu.memory_space<vmem>>, vector<16xf32>,
      %get3A_54 = vector.shape_cast %get3A_53 : vector<16xf32> to vector<16xf32>
      %bitcast_convert_type3A_55 = tpu.bitcast %get3A_54 : vector<16xf32> -> vector<16xi32>
      %add3A_56 = arith.constant 32767 : i32
      %add3A_57 = vector.broadcast %add3A_56 : i32 to vector<16xi32>
      %add3A_58 = arith.addi %bitcast_convert_type3A, %add3A_57 : vector<16xi32>
      %shift_right_arithmetic3A = arith.constant 16 : i32
      %shift_right_arithmetic3A_59 = vector.broadcast %shift_right_arithmetic3A : i32 to vector<16xi32>
      %shift_right_arithmetic3A_60 = arith.shrsi %bitcast_convert_type3A, %shift_right_arithmetic3A_59 : vector<16xi32>
      %and3A = arith.constant 1 : i32
      %and3A_61 = vector.broadcast %and3A : i32 to vector<16xi32>
      %and3A_62 = arith.andi %shift_right_arithmetic3A_60, %and3A_61 : vector<16xi32>
      %add3A_63 = arith.addi %add3A_58, %and3A_62 : vector<16xi32>
      %shift_right_arithmetic3A_64 = arith.constant 16 : i32
      %shift_right_arithmetic3A_65 = vector.broadcast %shift_right_arithmetic3A_64 : i32 to vector<16xi32>
      %shift_right_arithmetic3A_66 = arith.shrsi %add3A_63, %shift_right_arithmetic3A_65 : vector<16xi32>
      %and3A_67 = arith.constant 65535 : i32
      %and3A_68 = vector.broadcast %and3A_67 : i32 to vector<16xi32>
      %and3A_69 = arith.andi %shift_right_arithmetic3A_66, %and3A_68 : vector<16xi32>
      %add3A_70 = arith.constant 32767 : i32
      %add3A_71 = vector.broadcast %add3A_70 : i32 to vector<16xi32>
      %add3A_72 = arith.addi %bitcast_convert_type3A_55, %add3A_71 : vector<16xi32>
      %shift_right_arithmetic3A_73 = arith.constant 16 : i32
      %shift_right_arithmetic3A_74 = vector.broadcast %shift_right_arithmetic3A_73 : i32 to vector<16xi32>
      %shift_right_arithmetic3A_75 = arith.shrsi %bitcast_convert_type3A_55, %shift_right_arithmetic3A_74 : vector<16xi32>
      %and3A_76 = arith.constant 1 : i32
      %and3A_77 = vector.broadcast %and3A_76 : i32 to vector<16xi32>
      %and3A_78 = arith.andi %shift_right_arithmetic3A_75, %and3A_77 : vector<16xi32>
      %add3A_79 = arith.addi %add3A_72, %and3A_78 : vector<16xi32>
      %and3A_80 = arith.constant -65536 : i32
      %and3A_81 = vector.broadcast %and3A_80 : i32 to vector<16xi32>
      %and3A_82 = arith.andi %add3A_79, %and3A_81 : vector<16xi32>
      %or3A = arith.ori %and3A_69, %and3A_82 : vector<16xi32>
      %swap3A = arith.index_cast %mul3A_49 : i32 to index
      %swap3A_83 = tpu.vector_load %arg14[%swap3A] {strides = array<i32>} : memref<6272xi32, #tpu.memory_space<vmem>>, vector<16xi32>,
      %swap3A_84 = vector.shape_cast %swap3A_83 : vector<16xi32> to vector<16xi32>
      %swap3A_85 = vector.shape_cast %or3A : vector<16xi32> to vector<16xi32>
      tpu.vector_store %arg14[%swap3A], %swap3A_85 {strides = array<i32>} : memref<6272xi32, #tpu.memory_space<vmem>>, vector<16xi32>,
      %scan3A_86 = arith.constant 0 : i32
      scf.yield %scan3A_86 : i32
    }
    %scan3A_22 = arith.constant 392 : i32
    "tpu.region"() ({
      %run_scoped3A = tpu.sem_alloc : memref<!tpu.dma_semaphore, #tpu.memory_space<semaphore_mem>>
      %dma_start3A = tpu.memref_slice %arg9[%mul3A_2] : memref<100352xi32, #tpu.memory_space<vmem_shared>> -> memref<6272xi32, #tpu.memory_space<vmem_shared>>
      %dma_start3A_46 = tpu.memref_slice %arg9[%mul3A_2] : memref<100352xi32, #tpu.memory_space<vmem_shared>> -> memref<6272xi32, #tpu.memory_space<vmem_shared>>
      tpu.enqueue_dma source(%arg14 : memref<6272xi32, #tpu.memory_space<vmem>>) target(%dma_start3A_46 : memref<6272xi32, #tpu.memory_space<vmem_shared>>) target_semaphore(%run_scoped3A : memref<!tpu.dma_semaphore, #tpu.memory_space<semaphore_mem>>)
      %dma_wait3A = tpu.memref_slice %arg9[%mul3A_2] : memref<100352xi32, #tpu.memory_space<vmem_shared>> -> memref<6272xi32, #tpu.memory_space<vmem_shared>>
      %dma_wait3A_47 = tpu.memref_slice %arg9[%mul3A_2] : memref<100352xi32, #tpu.memory_space<vmem_shared>> -> memref<6272xi32, #tpu.memory_space<vmem_shared>>
      tpu.wait_dma2 semaphore(%run_scoped3A : memref<!tpu.dma_semaphore, #tpu.memory_space<semaphore_mem>>) src(%arg14 : memref<6272xi32, #tpu.memory_space<vmem>>) dst(%dma_wait3A_47 : memref<6272xi32, #tpu.memory_space<vmem_shared>>)
      tpu.yield
    }) : () -> ()
    %scan3A_23 = arith.constant 0 : i32
    %scan3A_24 = arith.constant 0 : i32
    %scan3A_25 = arith.constant 392 : i32
    %scan3A_26 = arith.addi %scan3A_24, %scan3A_25 : i32
    %scan3A_27 = arith.constant 1 : i32
    %scan3A_28 = scf.for %scan3A_46 = %scan3A_24 to %scan3A_26 step %scan3A_27 iter_args(%scan3A_47 = %scan3A_23) -> (i32)  : i32 {
      %broadcast_in_dim3A = arith.constant 0.000000e+00 : f32
      %broadcast_in_dim3A_48 = vector.broadcast %broadcast_in_dim3A : f32 to vector<16xf32>
      %mul3A_49 = arith.constant 16 : i32
      %mul3A_50 = arith.muli %scan3A_46, %mul3A_49 : i32
      %swap3A = arith.index_cast %mul3A_50 : i32 to index
      %swap3A_51 = tpu.vector_load %arg11[%swap3A] {strides = array<i32>} : memref<6272xf32, #tpu.memory_space<vmem>>, vector<16xf32>,
      %swap3A_52 = vector.shape_cast %swap3A_51 : vector<16xf32> to vector<16xf32>
      %swap3A_53 = vector.shape_cast %broadcast_in_dim3A_48 : vector<16xf32> to vector<16xf32>
      tpu.vector_store %arg11[%swap3A], %swap3A_53 {strides = array<i32>} : memref<6272xf32, #tpu.memory_space<vmem>>, vector<16xf32>,
      %scan3A_54 = arith.constant 0 : i32
      scf.yield %scan3A_54 : i32
    }
    %scan3A_29 = arith.constant 392 : i32
    "tpu.region"() ({
      %run_scoped3A = tpu.sem_alloc : memref<!tpu.dma_semaphore, #tpu.memory_space<semaphore_mem>>
      %dma_start3A = tpu.memref_slice %arg10[%mul3A_2] : memref<200704xf32, #tpu.memory_space<vmem_shared>> -> memref<6272xf32, #tpu.memory_space<vmem_shared>>
      %dma_start3A_46 = tpu.memref_slice %arg10[%mul3A_2] : memref<200704xf32, #tpu.memory_space<vmem_shared>> -> memref<6272xf32, #tpu.memory_space<vmem_shared>>
      tpu.enqueue_dma source(%arg11 : memref<6272xf32, #tpu.memory_space<vmem>>) target(%dma_start3A_46 : memref<6272xf32, #tpu.memory_space<vmem_shared>>) target_semaphore(%run_scoped3A : memref<!tpu.dma_semaphore, #tpu.memory_space<semaphore_mem>>)
      %dma_wait3A = tpu.memref_slice %arg10[%mul3A_2] : memref<200704xf32, #tpu.memory_space<vmem_shared>> -> memref<6272xf32, #tpu.memory_space<vmem_shared>>
      %dma_wait3A_47 = tpu.memref_slice %arg10[%mul3A_2] : memref<200704xf32, #tpu.memory_space<vmem_shared>> -> memref<6272xf32, #tpu.memory_space<vmem_shared>>
      tpu.wait_dma2 semaphore(%run_scoped3A : memref<!tpu.dma_semaphore, #tpu.memory_space<semaphore_mem>>) src(%arg11 : memref<6272xf32, #tpu.memory_space<vmem>>) dst(%dma_wait3A_47 : memref<6272xf32, #tpu.memory_space<vmem_shared>>)
      tpu.yield
    }) : () -> ()
    %add3A_30 = arith.constant 100352 : i32
    %add3A_31 = arith.addi %add3A_30, %mul3A_2 : i32
    "tpu.region"() ({
      %run_scoped3A = tpu.sem_alloc : memref<!tpu.dma_semaphore, #tpu.memory_space<semaphore_mem>>
      %dma_start3A = tpu.memref_slice %arg10[%add3A_31] : memref<200704xf32, #tpu.memory_space<vmem_shared>> -> memref<6272xf32, #tpu.memory_space<vmem_shared>>
      %dma_start3A_46 = tpu.memref_slice %arg10[%add3A_31] : memref<200704xf32, #tpu.memory_space<vmem_shared>> -> memref<6272xf32, #tpu.memory_space<vmem_shared>>
      tpu.enqueue_dma source(%arg11 : memref<6272xf32, #tpu.memory_space<vmem>>) target(%dma_start3A_46 : memref<6272xf32, #tpu.memory_space<vmem_shared>>) target_semaphore(%run_scoped3A : memref<!tpu.dma_semaphore, #tpu.memory_space<semaphore_mem>>)
      %dma_wait3A = tpu.memref_slice %arg10[%add3A_31] : memref<200704xf32, #tpu.memory_space<vmem_shared>> -> memref<6272xf32, #tpu.memory_space<vmem_shared>>
      %dma_wait3A_47 = tpu.memref_slice %arg10[%add3A_31] : memref<200704xf32, #tpu.memory_space<vmem_shared>> -> memref<6272xf32, #tpu.memory_space<vmem_shared>>
      tpu.wait_dma2 semaphore(%run_scoped3A : memref<!tpu.dma_semaphore, #tpu.memory_space<semaphore_mem>>) src(%arg11 : memref<6272xf32, #tpu.memory_space<vmem>>) dst(%dma_wait3A_47 : memref<6272xf32, #tpu.memory_space<vmem_shared>>)
      tpu.yield
    }) : () -> ()
    %barrier3A = arith.constant 0 : index
    tpu.barrier barrier_id(%barrier3A)
    %mul3A_32 = arith.constant 100352 : i32
    %mul3A_33 = arith.muli %add3A, %mul3A_32 : i32
    %scan3A_34 = arith.constant 0 : i32
    %scan3A_35 = arith.constant 0 : i32
    %scan3A_36 = arith.constant 49 : i32
    %scan3A_37 = arith.addi %scan3A_35, %scan3A_36 : i32
    %scan3A_38 = arith.constant 1 : i32
    %scan3A_39 = scf.for %scan3A_46 = %scan3A_35 to %scan3A_37 step %scan3A_38 iter_args(%scan3A_47 = %scan3A_34) -> (i32)  : i32 {
      %mul3A_48 = arith.constant 2048 : i32
      %mul3A_49 = arith.muli %scan3A_46, %mul3A_48 : i32
      %add3A_50 = arith.addi %mul3A_33, %mul3A_49 : i32
      "tpu.region"() ({
        %run_scoped3A = tpu.sem_alloc : memref<!tpu.dma_semaphore, #tpu.memory_space<semaphore_mem>>
        %dma_start3A_88 = tpu.memref_slice %arg6[%add3A_50] : memref<3211264xi32, #tpu.memory_space<hbm>> -> memref<2048xi32, #tpu.memory_space<hbm>>
        %dma_start3A_89 = tpu.memref_slice %arg6[%add3A_50] : memref<3211264xi32, #tpu.memory_space<hbm>> -> memref<2048xi32, #tpu.memory_space<hbm>>
        tpu.enqueue_dma source(%dma_start3A_89 : memref<2048xi32, #tpu.memory_space<hbm>>) target(%arg15 : memref<2048xi32, #tpu.memory_space<vmem>>) target_semaphore(%run_scoped3A : memref<!tpu.dma_semaphore, #tpu.memory_space<semaphore_mem>>)
        %dma_wait3A_90 = tpu.memref_slice %arg6[%add3A_50] : memref<3211264xi32, #tpu.memory_space<hbm>> -> memref<2048xi32, #tpu.memory_space<hbm>>
        %dma_wait3A_91 = tpu.memref_slice %arg6[%add3A_50] : memref<3211264xi32, #tpu.memory_space<hbm>> -> memref<2048xi32, #tpu.memory_space<hbm>>
        tpu.wait_dma2 semaphore(%run_scoped3A : memref<!tpu.dma_semaphore, #tpu.memory_space<semaphore_mem>>) src(%dma_wait3A_91 : memref<2048xi32, #tpu.memory_space<hbm>>) dst(%arg15 : memref<2048xi32, #tpu.memory_space<vmem>>)
        tpu.yield
      }) : () -> ()
      "tpu.region"() ({
        %run_scoped3A = tpu.sem_alloc : memref<!tpu.dma_semaphore, #tpu.memory_space<semaphore_mem>>
        %dma_start3A_88 = tpu.memref_slice %arg7[%add3A_50] : memref<3211264xi32, #tpu.memory_space<hbm>> -> memref<2048xi32, #tpu.memory_space<hbm>>
        %dma_start3A_89 = tpu.memref_slice %arg7[%add3A_50] : memref<3211264xi32, #tpu.memory_space<hbm>> -> memref<2048xi32, #tpu.memory_space<hbm>>
        tpu.enqueue_dma source(%dma_start3A_89 : memref<2048xi32, #tpu.memory_space<hbm>>) target(%arg16 : memref<2048xi32, #tpu.memory_space<vmem>>) target_semaphore(%run_scoped3A : memref<!tpu.dma_semaphore, #tpu.memory_space<semaphore_mem>>)
        %dma_wait3A_90 = tpu.memref_slice %arg7[%add3A_50] : memref<3211264xi32, #tpu.memory_space<hbm>> -> memref<2048xi32, #tpu.memory_space<hbm>>
        %dma_wait3A_91 = tpu.memref_slice %arg7[%add3A_50] : memref<3211264xi32, #tpu.memory_space<hbm>> -> memref<2048xi32, #tpu.memory_space<hbm>>
        tpu.wait_dma2 semaphore(%run_scoped3A : memref<!tpu.dma_semaphore, #tpu.memory_space<semaphore_mem>>) src(%dma_wait3A_91 : memref<2048xi32, #tpu.memory_space<hbm>>) dst(%arg16 : memref<2048xi32, #tpu.memory_space<vmem>>)
        tpu.yield
      }) : () -> ()
      %scan3A_51 = arith.constant 0 : i32
      %scan3A_52 = arith.constant 0 : i32
      %scan3A_53 = arith.constant 128 : i32
      %scan3A_54 = arith.addi %scan3A_52, %scan3A_53 : i32
      %scan3A_55 = arith.constant 1 : i32
      %scan3A_56 = scf.for %scan3A_88 = %scan3A_52 to %scan3A_54 step %scan3A_55 iter_args(%scan3A_89 = %scan3A_51) -> (i32)  : i32 {
        %mul3A_90 = arith.constant 16 : i32
        %mul3A_91 = arith.muli %scan3A_88, %mul3A_90 : i32
        %get3A = arith.index_cast %mul3A_91 : i32 to index
        %get3A_92 = tpu.vector_load %arg15[%get3A] {strides = array<i32>} : memref<2048xi32, #tpu.memory_space<vmem>>, vector<16xi32>,
        %get3A_93 = vector.shape_cast %get3A_92 : vector<16xi32> to vector<16xi32>
        %add3A_94 = arith.constant 100352 : i32
        %add3A_95 = vector.broadcast %add3A_94 : i32 to vector<16xi32>
        %add3A_96 = arith.addi %get3A_93, %add3A_95 : vector<16xi32>
        %swap3A = arith.index_cast %mul3A_91 : i32 to index
        %swap3A_97 = tpu.vector_load %arg17[%swap3A] {strides = array<i32>} : memref<2048xi32, #tpu.memory_space<vmem>>, vector<16xi32>,
        %swap3A_98 = vector.shape_cast %swap3A_97 : vector<16xi32> to vector<16xi32>
        %swap3A_99 = vector.shape_cast %add3A_96 : vector<16xi32> to vector<16xi32>
        tpu.vector_store %arg17[%swap3A], %swap3A_99 {strides = array<i32>} : memref<2048xi32, #tpu.memory_space<vmem>>, vector<16xi32>,
        %get3A_100 = arith.index_cast %mul3A_91 : i32 to index
        %get3A_101 = tpu.vector_load %arg16[%get3A_100] {strides = array<i32>} : memref<2048xi32, #tpu.memory_space<vmem>>, vector<16xi32>,
        %get3A_102 = vector.shape_cast %get3A_101 : vector<16xi32> to vector<16xi32>
        %add3A_103 = arith.constant 100352 : i32
        %add3A_104 = vector.broadcast %add3A_103 : i32 to vector<16xi32>
        %add3A_105 = arith.addi %get3A_102, %add3A_104 : vector<16xi32>
        %swap3A_106 = arith.index_cast %mul3A_91 : i32 to index
        %swap3A_107 = tpu.vector_load %arg18[%swap3A_106] {strides = array<i32>} : memref<2048xi32, #tpu.memory_space<vmem>>, vector<16xi32>,
        %swap3A_108 = vector.shape_cast %swap3A_107 : vector<16xi32> to vector<16xi32>
        %swap3A_109 = vector.shape_cast %add3A_105 : vector<16xi32> to vector<16xi32>
        tpu.vector_store %arg18[%swap3A_106], %swap3A_109 {strides = array<i32>} : memref<2048xi32, #tpu.memory_space<vmem>>, vector<16xi32>,
        %scan3A_110 = arith.constant 0 : i32
        scf.yield %scan3A_110 : i32
      }
      %scan3A_57 = arith.constant 128 : i32
      %dma_start3A = arith.constant 0 : i32
      %dma_start3A_58 = tpu.memref_slice %arg9[%dma_start3A] : memref<100352xi32, #tpu.memory_space<vmem_shared>> -> memref<100352xi32, #tpu.memory_space<vmem_shared>>
      tpu.enqueue_indirect_dma source(%dma_start3A_58 : memref<100352xi32, #tpu.memory_space<vmem_shared>>) target(%arg19 : memref<2048xi32, #tpu.memory_space<vmem>>) offsets(%arg15 : memref<2048xi32, #tpu.memory_space<vmem>>) semaphore(%arg25 : memref<!tpu.dma_semaphore, #tpu.memory_space<semaphore_mem>>)
      %dma_start3A_59 = arith.constant 0 : i32
      %dma_start3A_60 = tpu.memref_slice %arg9[%dma_start3A_59] : memref<100352xi32, #tpu.memory_space<vmem_shared>> -> memref<100352xi32, #tpu.memory_space<vmem_shared>>
      tpu.enqueue_indirect_dma source(%dma_start3A_60 : memref<100352xi32, #tpu.memory_space<vmem_shared>>) target(%arg20 : memref<2048xi32, #tpu.memory_space<vmem>>) offsets(%arg16 : memref<2048xi32, #tpu.memory_space<vmem>>) semaphore(%arg25 : memref<!tpu.dma_semaphore, #tpu.memory_space<semaphore_mem>>)
      %dma_wait3A = arith.constant 0 : i32
      %dma_wait3A_61 = tpu.memref_slice %arg9[%dma_wait3A] : memref<100352xi32, #tpu.memory_space<vmem_shared>> -> memref<100352xi32, #tpu.memory_space<vmem_shared>>
      tpu.wait_indirect_dma semaphore(%arg25 : memref<!tpu.dma_semaphore, #tpu.memory_space<semaphore_mem>>) src(%dma_wait3A_61 : memref<100352xi32, #tpu.memory_space<vmem_shared>>) dst(%arg19 : memref<2048xi32, #tpu.memory_space<vmem>>)
      %dma_wait3A_62 = arith.constant 0 : i32
      %dma_wait3A_63 = tpu.memref_slice %arg9[%dma_wait3A_62] : memref<100352xi32, #tpu.memory_space<vmem_shared>> -> memref<100352xi32, #tpu.memory_space<vmem_shared>>
      tpu.wait_indirect_dma semaphore(%arg25 : memref<!tpu.dma_semaphore, #tpu.memory_space<semaphore_mem>>) src(%dma_wait3A_63 : memref<100352xi32, #tpu.memory_space<vmem_shared>>) dst(%arg20 : memref<2048xi32, #tpu.memory_space<vmem>>)
      %scan3A_64 = arith.constant 0 : i32
      %scan3A_65 = arith.constant 0 : i32
      %scan3A_66 = arith.constant 128 : i32
      %scan3A_67 = arith.addi %scan3A_65, %scan3A_66 : i32
      %scan3A_68 = arith.constant 1 : i32
      %scan3A_69 = scf.for %scan3A_88 = %scan3A_65 to %scan3A_67 step %scan3A_68 iter_args(%scan3A_89 = %scan3A_64) -> (i32)  : i32 {
        %mul3A_90 = arith.constant 16 : i32
        %mul3A_91 = arith.muli %scan3A_88, %mul3A_90 : i32
        %get3A = arith.index_cast %mul3A_91 : i32 to index
        %get3A_92 = tpu.vector_load %arg19[%get3A] {strides = array<i32>} : memref<2048xi32, #tpu.memory_space<vmem>>, vector<16xi32>,
        %get3A_93 = vector.shape_cast %get3A_92 : vector<16xi32> to vector<16xi32>
        %get3A_94 = arith.index_cast %mul3A_91 : i32 to index
        %get3A_95 = tpu.vector_load %arg20[%get3A_94] {strides = array<i32>} : memref<2048xi32, #tpu.memory_space<vmem>>, vector<16xi32>,
        %get3A_96 = vector.shape_cast %get3A_95 : vector<16xi32> to vector<16xi32>
        %shift_left3A = arith.constant 16 : i32
        %shift_left3A_97 = vector.broadcast %shift_left3A : i32 to vector<16xi32>
        %shift_left3A_98 = arith.shli %get3A_93, %shift_left3A_97 : vector<16xi32>
        %bitcast_convert_type3A = tpu.bitcast %shift_left3A_98 : vector<16xi32> -> vector<16xf32>
        %and3A = arith.constant -65536 : i32
        %and3A_99 = vector.broadcast %and3A : i32 to vector<16xi32>
        %and3A_100 = arith.andi %get3A_93, %and3A_99 : vector<16xi32>
        %bitcast_convert_type3A_101 = tpu.bitcast %and3A_100 : vector<16xi32> -> vector<16xf32>
        %shift_left3A_102 = arith.constant 16 : i32
        %shift_left3A_103 = vector.broadcast %shift_left3A_102 : i32 to vector<16xi32>
        %shift_left3A_104 = arith.shli %get3A_96, %shift_left3A_103 : vector<16xi32>
        %bitcast_convert_type3A_105 = tpu.bitcast %shift_left3A_104 : vector<16xi32> -> vector<16xf32>
        %and3A_106 = arith.constant -65536 : i32
        %and3A_107 = vector.broadcast %and3A_106 : i32 to vector<16xi32>
        %and3A_108 = arith.andi %get3A_96, %and3A_107 : vector<16xi32>
        %bitcast_convert_type3A_109 = tpu.bitcast %and3A_108 : vector<16xi32> -> vector<16xf32>
        %sub3A = arith.subf %bitcast_convert_type3A, %bitcast_convert_type3A_105 : vector<16xf32>
        %sub3A_110 = arith.subf %bitcast_convert_type3A_101, %bitcast_convert_type3A_109 : vector<16xf32>
        %abs3A = math.absf %sub3A : vector<16xf32>
        %lt3A = arith.constant 2.000000e+00 : f32
        %lt3A_111 = vector.broadcast %lt3A : f32 to vector<16xf32>
        %lt3A_112 = arith.cmpf olt, %abs3A, %lt3A_111 : vector<16xf32>
        %abs3A_113 = math.absf %sub3A_110 : vector<16xf32>
        %lt3A_114 = arith.constant 2.000000e+00 : f32
        %lt3A_115 = vector.broadcast %lt3A_114 : f32 to vector<16xf32>
        %lt3A_116 = arith.cmpf olt, %abs3A_113, %lt3A_115 : vector<16xf32>
        %and3A_117 = arith.andi %lt3A_112, %lt3A_116 : vector<16xi1>
        %get3A_118 = arith.index_cast %mul3A_91 : i32 to index
        %get3A_119 = tpu.vector_load %arg15[%get3A_118] {strides = array<i32>} : memref<2048xi32, #tpu.memory_space<vmem>>, vector<16xi32>,
        %get3A_120 = vector.shape_cast %get3A_119 : vector<16xi32> to vector<16xi32>
        %get3A_121 = arith.index_cast %mul3A_91 : i32 to index
        %get3A_122 = tpu.vector_load %arg16[%get3A_121] {strides = array<i32>} : memref<2048xi32, #tpu.memory_space<vmem>>, vector<16xi32>,
        %get3A_123 = vector.shape_cast %get3A_122 : vector<16xi32> to vector<16xi32>
        %ne3A = arith.cmpi ne, %get3A_120, %get3A_123 : vector<16xi32>
        %and3A_124 = arith.andi %and3A_117, %ne3A : vector<16xi1>
        %mul3A_125 = arith.mulf %sub3A, %sub3A : vector<16xf32>
        %mul3A_126 = arith.mulf %sub3A_110, %sub3A_110 : vector<16xf32>
        %add3A_127 = arith.addf %mul3A_125, %mul3A_126 : vector<16xf32>
        %add3A_128 = arith.constant 0.00999999977 : f32
        %add3A_129 = vector.broadcast %add3A_128 : f32 to vector<16xf32>
        %add3A_130 = arith.addf %add3A_127, %add3A_129 : vector<16xf32>
        %div3A = arith.constant 5.000000e-01 : f32
        %div3A_131 = vector.broadcast %div3A : f32 to vector<16xf32>
        %div3A_132 = arith.divf %div3A_131, %add3A_130 : vector<16xf32>
        %mul3A_133 = arith.mulf %div3A_132, %sub3A : vector<16xf32>
        %jit3A = arith.constant 0.000000e+00 : f32
        %broadcast_in_dim3A = vector.broadcast %jit3A : f32 to vector<16xf32>
        %select_n3A = arith.select %and3A_124, %mul3A_133, %broadcast_in_dim3A : vector<16xi1>, vector<16xf32>
        %mul3A_134 = arith.mulf %div3A_132, %sub3A_110 : vector<16xf32>
        %jit3A_135 = arith.constant 0.000000e+00 : f32
        %broadcast_in_dim3A_136 = vector.broadcast %jit3A_135 : f32 to vector<16xf32>
        %select_n3A_137 = arith.select %and3A_124, %mul3A_134, %broadcast_in_dim3A_136 : vector<16xi1>, vector<16xf32>
        %swap3A = arith.index_cast %mul3A_91 : i32 to index
        %swap3A_138 = tpu.vector_load %arg21[%swap3A] {strides = array<i32>} : memref<2048xf32, #tpu.memory_space<vmem>>, vector<16xf32>,
        %swap3A_139 = vector.shape_cast %swap3A_138 : vector<16xf32> to vector<16xf32>
        %swap3A_140 = vector.shape_cast %select_n3A : vector<16xf32> to vector<16xf32>
        tpu.vector_store %arg21[%swap3A], %swap3A_140 {strides = array<i32>} : memref<2048xf32, #tpu.memory_space<vmem>>, vector<16xf32>,
        %neg3A = arith.constant 0.000000e+00 : f32
        %neg3A_141 = vector.broadcast %neg3A : f32 to vector<16xf32>
        %neg3A_142 = arith.subf %neg3A_141, %select_n3A : vector<16xf32>
        %swap3A_143 = arith.index_cast %mul3A_91 : i32 to index
        %swap3A_144 = tpu.vector_load %arg22[%swap3A_143] {strides = array<i32>} : memref<2048xf32, #tpu.memory_space<vmem>>, vector<16xf32>,
        %swap3A_145 = vector.shape_cast %swap3A_144 : vector<16xf32> to vector<16xf32>
        %swap3A_146 = vector.shape_cast %neg3A_142 : vector<16xf32> to vector<16xf32>
        tpu.vector_store %arg22[%swap3A_143], %swap3A_146 {strides = array<i32>} : memref<2048xf32, #tpu.memory_space<vmem>>, vector<16xf32>,
        %swap3A_147 = arith.index_cast %mul3A_91 : i32 to index
        %swap3A_148 = tpu.vector_load %arg23[%swap3A_147] {strides = array<i32>} : memref<2048xf32, #tpu.memory_space<vmem>>, vector<16xf32>,
        %swap3A_149 = vector.shape_cast %swap3A_148 : vector<16xf32> to vector<16xf32>
        %swap3A_150 = vector.shape_cast %select_n3A_137 : vector<16xf32> to vector<16xf32>
        tpu.vector_store %arg23[%swap3A_147], %swap3A_150 {strides = array<i32>} : memref<2048xf32, #tpu.memory_space<vmem>>, vector<16xf32>,
        %neg3A_151 = arith.constant 0.000000e+00 : f32
        %neg3A_152 = vector.broadcast %neg3A_151 : f32 to vector<16xf32>
        %neg3A_153 = arith.subf %neg3A_152, %select_n3A_137 : vector<16xf32>
        %swap3A_154 = arith.index_cast %mul3A_91 : i32 to index
        %swap3A_155 = tpu.vector_load %arg24[%swap3A_154] {strides = array<i32>} : memref<2048xf32, #tpu.memory_space<vmem>>, vector<16xf32>,
        %swap3A_156 = vector.shape_cast %swap3A_155 : vector<16xf32> to vector<16xf32>
        %swap3A_157 = vector.shape_cast %neg3A_153 : vector<16xf32> to vector<16xf32>
        tpu.vector_store %arg24[%swap3A_154], %swap3A_157 {strides = array<i32>} : memref<2048xf32, #tpu.memory_space<vmem>>, vector<16xf32>,
        %scan3A_158 = arith.constant 0 : i32
        scf.yield %scan3A_158 : i32
      }
      %scan3A_70 = arith.constant 128 : i32
      %dma_start3A_71 = arith.constant 0 : i32
      %dma_start3A_72 = tpu.memref_slice %arg10[%dma_start3A_71] : memref<200704xf32, #tpu.memory_space<vmem_shared>> -> memref<200704xf32, #tpu.memory_space<vmem_shared>>
      tpu.enqueue_indirect_dma source(%arg21 : memref<2048xf32, #tpu.memory_space<vmem>>) target(%dma_start3A_72 : memref<200704xf32, #tpu.memory_space<vmem_shared>>) offsets(%arg15 : memref<2048xi32, #tpu.memory_space<vmem>>) semaphore(%arg26 : memref<!tpu.dma_semaphore, #tpu.memory_space<semaphore_mem>>) {add = true}
      %dma_start3A_73 = arith.constant 0 : i32
      %dma_start3A_74 = tpu.memref_slice %arg10[%dma_start3A_73] : memref<200704xf32, #tpu.memory_space<vmem_shared>> -> memref<200704xf32, #tpu.memory_space<vmem_shared>>
      tpu.enqueue_indirect_dma source(%arg22 : memref<2048xf32, #tpu.memory_space<vmem>>) target(%dma_start3A_74 : memref<200704xf32, #tpu.memory_space<vmem_shared>>) offsets(%arg16 : memref<2048xi32, #tpu.memory_space<vmem>>) semaphore(%arg26 : memref<!tpu.dma_semaphore, #tpu.memory_space<semaphore_mem>>) {add = true}
      %dma_start3A_75 = arith.constant 0 : i32
      %dma_start3A_76 = tpu.memref_slice %arg10[%dma_start3A_75] : memref<200704xf32, #tpu.memory_space<vmem_shared>> -> memref<200704xf32, #tpu.memory_space<vmem_shared>>
      tpu.enqueue_indirect_dma source(%arg23 : memref<2048xf32, #tpu.memory_space<vmem>>) target(%dma_start3A_76 : memref<200704xf32, #tpu.memory_space<vmem_shared>>) offsets(%arg17 : memref<2048xi32, #tpu.memory_space<vmem>>) semaphore(%arg26 : memref<!tpu.dma_semaphore, #tpu.memory_space<semaphore_mem>>) {add = true}
      %dma_start3A_77 = arith.constant 0 : i32
      %dma_start3A_78 = tpu.memref_slice %arg10[%dma_start3A_77] : memref<200704xf32, #tpu.memory_space<vmem_shared>> -> memref<200704xf32, #tpu.memory_space<vmem_shared>>
      tpu.enqueue_indirect_dma source(%arg24 : memref<2048xf32, #tpu.memory_space<vmem>>) target(%dma_start3A_78 : memref<200704xf32, #tpu.memory_space<vmem_shared>>) offsets(%arg18 : memref<2048xi32, #tpu.memory_space<vmem>>) semaphore(%arg26 : memref<!tpu.dma_semaphore, #tpu.memory_space<semaphore_mem>>) {add = true}
      %dma_wait3A_79 = arith.constant 0 : i32
      %dma_wait3A_80 = tpu.memref_slice %arg10[%dma_wait3A_79] : memref<200704xf32, #tpu.memory_space<vmem_shared>> -> memref<200704xf32, #tpu.memory_space<vmem_shared>>
      tpu.wait_indirect_dma semaphore(%arg26 : memref<!tpu.dma_semaphore, #tpu.memory_space<semaphore_mem>>) src(%arg21 : memref<2048xf32, #tpu.memory_space<vmem>>) dst(%dma_wait3A_80 : memref<200704xf32, #tpu.memory_space<vmem_shared>>)
      %dma_wait3A_81 = arith.constant 0 : i32
      %dma_wait3A_82 = tpu.memref_slice %arg10[%dma_wait3A_81] : memref<200704xf32, #tpu.memory_space<vmem_shared>> -> memref<200704xf32, #tpu.memory_space<vmem_shared>>
      tpu.wait_indirect_dma semaphore(%arg26 : memref<!tpu.dma_semaphore, #tpu.memory_space<semaphore_mem>>) src(%arg22 : memref<2048xf32, #tpu.memory_space<vmem>>) dst(%dma_wait3A_82 : memref<200704xf32, #tpu.memory_space<vmem_shared>>)
      %dma_wait3A_83 = arith.constant 0 : i32
      %dma_wait3A_84 = tpu.memref_slice %arg10[%dma_wait3A_83] : memref<200704xf32, #tpu.memory_space<vmem_shared>> -> memref<200704xf32, #tpu.memory_space<vmem_shared>>
      tpu.wait_indirect_dma semaphore(%arg26 : memref<!tpu.dma_semaphore, #tpu.memory_space<semaphore_mem>>) src(%arg23 : memref<2048xf32, #tpu.memory_space<vmem>>) dst(%dma_wait3A_84 : memref<200704xf32, #tpu.memory_space<vmem_shared>>)
      %dma_wait3A_85 = arith.constant 0 : i32
      %dma_wait3A_86 = tpu.memref_slice %arg10[%dma_wait3A_85] : memref<200704xf32, #tpu.memory_space<vmem_shared>> -> memref<200704xf32, #tpu.memory_space<vmem_shared>>
      tpu.wait_indirect_dma semaphore(%arg26 : memref<!tpu.dma_semaphore, #tpu.memory_space<semaphore_mem>>) src(%arg24 : memref<2048xf32, #tpu.memory_space<vmem>>) dst(%dma_wait3A_86 : memref<200704xf32, #tpu.memory_space<vmem_shared>>)
      %scan3A_87 = arith.constant 0 : i32
      scf.yield %scan3A_87 : i32
    }
    %scan3A_40 = arith.constant 49 : i32
    %barrier3A_41 = arith.constant 0 : index
    tpu.barrier barrier_id(%barrier3A_41)
    %mul3A_42 = arith.constant 12544 : i32
    %mul3A_43 = arith.muli %arg1, %mul3A_42 : i32
    %mul3A_44 = arith.constant 12544 : i32
    %mul3A_45 = arith.muli %arg1, %mul3A_44 : i32
    "tpu.region"() ({
      %run_scoped3A = tpu.sem_alloc : memref<!tpu.dma_semaphore, #tpu.memory_space<semaphore_mem>>
      %dma_start3A = tpu.memref_slice %arg8[%arg0, %mul3A_45] : memref<2x200704xf32, #tpu.memory_space<hbm>> -> memref<1x12544xf32, #tpu.memory_space<hbm>>
      %dma_start3A_46 = tpu.memref_squeeze %dma_start3A : memref<1x12544xf32, #tpu.memory_space<hbm>> -> memref<12544xf32, #tpu.memory_space<hbm>>
      %dma_start3A_47 = tpu.memref_slice %arg10[%mul3A_43] : memref<200704xf32, #tpu.memory_space<vmem_shared>> -> memref<12544xf32, #tpu.memory_space<vmem_shared>>
      tpu.enqueue_dma source(%dma_start3A_47 : memref<12544xf32, #tpu.memory_space<vmem_shared>>) target(%dma_start3A_46 : memref<12544xf32, #tpu.memory_space<hbm>>) target_semaphore(%run_scoped3A : memref<!tpu.dma_semaphore, #tpu.memory_space<semaphore_mem>>)
      %dma_wait3A = tpu.memref_slice %arg8[%arg0, %mul3A_45] : memref<2x200704xf32, #tpu.memory_space<hbm>> -> memref<1x12544xf32, #tpu.memory_space<hbm>>
      %dma_wait3A_48 = tpu.memref_squeeze %dma_wait3A : memref<1x12544xf32, #tpu.memory_space<hbm>> -> memref<12544xf32, #tpu.memory_space<hbm>>
      %dma_wait3A_49 = tpu.memref_slice %arg10[%mul3A_43] : memref<200704xf32, #tpu.memory_space<vmem_shared>> -> memref<12544xf32, #tpu.memory_space<vmem_shared>>
      tpu.wait_dma2 semaphore(%run_scoped3A : memref<!tpu.dma_semaphore, #tpu.memory_space<semaphore_mem>>) src(%dma_wait3A_49 : memref<12544xf32, #tpu.memory_space<vmem_shared>>) dst(%dma_wait3A_48 : memref<12544xf32, #tpu.memory_space<hbm>>)
      tpu.yield
    }) : () -> ()
    return
  }
}

module attributes {stable_mosaic.version = 14 : i64} {
  func.func @_reduce_body(%arg0: memref<2x200704xf32, #tpu.memory_space<vmem>>, %arg1: memref<1x1xf32, #tpu.memory_space<vmem>>) attributes {dimension_semantics = [], scalar_prefetch = 0 : i64, scratch_operands = 0 : i64, tpu.core_type = #tpu.core_type<tc>} {
    %get3A = arith.constant 0 : index
    %get3A_0 = arith.constant 0 : index
    %get3A_1 = vector.load %arg0[%get3A, %get3A_0] : memref<2x200704xf32, #tpu.memory_space<vmem>>, vector<1x200704xf32>
    %get3A_2 = vector.shape_cast %get3A_1 : vector<1x200704xf32> to vector<200704xf32>
    %get3A_3 = arith.constant 1 : index
    %get3A_4 = arith.constant 0 : index
    %get3A_5 = vector.load %arg0[%get3A_3, %get3A_4] : memref<2x200704xf32, #tpu.memory_space<vmem>>, vector<1x200704xf32>
    %get3A_6 = vector.shape_cast %get3A_5 : vector<1x200704xf32> to vector<200704xf32>
    %add3A = arith.addf %get3A_2, %get3A_6 : vector<200704xf32>
    %abs3A = math.absf %add3A : vector<200704xf32>
    %reduce_sum3A = vector.shape_cast %abs3A : vector<200704xf32> to vector<1x200704xf32>
    %reduce_sum3A_7 = arith.constant dense<0.000000e+00> : vector<1xf32>
    %reduce_sum3A_8 = vector.multi_reduction <add>, %reduce_sum3A, %reduce_sum3A_7 [1] : vector<1x200704xf32> to vector<1xf32>
    %reduce_sum3A_9 = vector.shape_cast %reduce_sum3A_8 : vector<1xf32> to vector<1x1xf32>
    %reduce_sum3A_10 = vector.extract %reduce_sum3A_9[0, 0] : f32 from vector<1x1xf32>
    %reshape3A = vector.broadcast %reduce_sum3A_10 : f32 to vector<1x1xf32>
    %swap3A = arith.constant 0 : index
    %swap3A_11 = arith.constant 0 : index
    %swap3A_12 = vector.load %arg1[%swap3A, %swap3A_11] : memref<1x1xf32, #tpu.memory_space<vmem>>, vector<1x1xf32>
    tpu.vector_store %arg1[%swap3A, %swap3A_11], %reshape3A {strides = array<i32>} : memref<1x1xf32, #tpu.memory_space<vmem>>, vector<1x1xf32>,
    return
  }
}

</mosaic_0001>

<sc_bundles>
// kernel: kernel.4.cloned.1.call-start
scs
__scs_entry_jumppad:
0x0: {  	(pc) =	sbr.rel $0x88, $3  }
0x1: {  	(tag) =	ssettag $0x0;
	lr =	simm.s32 $0x1  }
0x2: {  	[smem:$0x3F9D] =	sst lr;
	_ =	strace $0xD0000000  }
0x3: {  	_ = 	snop  }
0x4: {  	_ = 	snop  }
0x5: {  	_ = 	snop  }
0x6: {  	_ = 	snop  }
0x7: {  	_ = 	snop  }
__scs_overlays_trampoline_lowered:
0x8: {  	[smem:$0x3FAC] =	sst s0  }
0x9: {  	[smem:$0x3FAD] =	sst s1  }
0xa: {  	[smem:$0x3FAE] =	sst s2  }
0xb: {  	[smem:$0x3FAF] =	sst s3  }
0xc: {  	[smem:$0x3FB0] =	sst s4  }
0xd: {  	[smem:$0x3FB1] =	sst s5  }
0xe: {  	[smem:$0x3FB2] =	sst s6  }
0xf: {  	[smem:$0x3FB3] =	sst s7  }
0x10: {  	[smem:$0x3FB4] =	sst s8  }
0x11: {  	[smem:$0x3FB5] =	sst s9;
	s0 =	simm.s32 @!p0 $0x0  }
0x12: {  	s1 =	sld [smem:$0x3F9B];
	s0 =	simm.s32 @p0 $0x1  }
0x13: {  	[smem:$0x3FB6] =	sst s0;
	s0 =	simm.s32 @!p1 $0x0  }
0x14: {  	s2 =	sld [smem:$0x3F9A];
	s0 =	simm.s32 @p1 $0x1  }
0x15: {  	[smem:$0x3FB7] =	sst s0;
	s0 =	simm.s32 @!p2 $0x0  }
0x16: {  	s3 =	sld [smem:$0x3FDB];
	s0 =	simm.s32 @p2 $0x1  }
0x17: {  	s4 =	simm.s32 $0x1BF5;
	[smem:$0x3FB9] =	sst s0  }
0x18: {  	s0 =	sld [smem:$0x3F9C];
	_ =	swait.ge [sflag:s4], $0x0  }
0x19: {  	s7 =	sld [smem:$0x3F9D]  }
0x1a: {  	s8 =	sadd.s32 $0xFFFFE003, lr  }
0x1b: {  	s9 =	sadd.s32 $0xFFFFFEF7, lr;
	s5 =	simm.s32 $0xFFFFFFFF;
	p2 =	slt.u32 s8, $0xFFFFF086  }
0x1c: {  	p1 =	slt.u32 s9, $0xF7A;
	s5 =	simm.s32 @!p2 $0x0  }
0x1d: {  	s5 =	simm.s32 @p1 $0x1;
	p0 =	seq.s32 s7, s2  }
0x1e: {  	s7 =	smul.u32 @!p0 $0xF7A, s2;
	p2 =	seq.s32 @!p0 s5, $0x0  }
0x1f: {  	s9 =	smul.u32 $0xF7A, s1;
	s8 =	simm.s32 @!p0 $0x1BF5;
	p2 =	por !p2, p0  }
0x20: {  	[sflag:s8] =	ssyncset.s32 @!p0 $0xFFFFF086;
	s6 =	sadd.s32 @!p0 s3, s7;
	s7 =	simm.s32 @!p0 $0x108  }
0x21: {  	s3 =	sadd.s32 s3, s9;
	s6 =	sadd.s32 @!p0 $0x88, s6;
	s7 =	simm.s32 @p2 $0x1082  }
0x22: {  	[simem:s7], [sflag:s8] =	dma.local @!p0 [hbm:s6], $0xF7A  }
0x23: {  	s9 =	sor.u32 $0xD0000000, s2;
	s6 =	simm.s32 $0x108;
	_ =	swait.ge @!p0 [sflag:s8], $0x0  }
0x24: {  	s3 =	sadd.s32 $0x88, s3;
	s6 =	simm.s32 @!p1 $0x1082;
	[sflag:s4] =	ssyncset.s32 $0xFFFFF086  }
0x25: {  	[simem:s6], [sflag:s4] =	dma.local [hbm:s3], $0xF7A  }
0x26: {  	[smem:$0x3F9D] =	sst s1;
	(tag) =	ssettag s2;
	_ =	strace s9  }
0x27: {  	s1 =	sld [smem:$0x3FAD]  }
0x28: {  	s2 =	sld [smem:$0x3FAE]  }
0x29: {  	s4 =	sld [smem:$0x3FB0]  }
0x2a: {  	p0 =	seq.s32 s5, $0x0;
	s5 =	sld [smem:$0x3FB1]  }
0x2b: {  	s6 =	sld [smem:$0x3FB2]  }
0x2c: {  	s7 =	sld [smem:$0x3FB3]  }
0x2d: {  	s3 =	simm.s32 $0x108;
	s8 =	sld [smem:$0x3FB4]  }
0x2e: {  	s3 =	simm.s32 @!p0 $0x1082;
	s9 =	sld [smem:$0x3FB5]  }
0x2f: {  	lr =	sadd.s32 s0, s3;
	s0 =	sld [smem:$0x3FAC]  }
0x30: {  	s3 =	sld [smem:$0x3FAF]  }
0x31: {  	[smem:$0x3FB8] =	sst s10  }
0x32: {  	s10 =	sld [smem:$0x3FB6];
	_ =	sdelay $0x3  }
0x33: {  	p0 =	seq.s32 s10, $0x1;
	s10 =	sld [smem:$0x3FB8];
	_ =	sdelay $0x3  }
0x34: {  	[smem:$0x3FB8] =	sst s10  }
0x35: {  	s10 =	sld [smem:$0x3FB7];
	_ =	sdelay $0x3  }
0x36: {  	p1 =	seq.s32 s10, $0x1;
	s10 =	sld [smem:$0x3FB8];
	_ =	sdelay $0x3  }
0x37: {  	[smem:$0x3FB8] =	sst s10  }
0x38: {  	s10 =	sld [smem:$0x3FB9]  }
0x39: {  	_ = 	snop;
	(pc) =	sbr.ind lr, $3  }
0x3a: {  	_ = 	snop  }
0x3b: {  	_ = 	snop  }
0x3c: {  	p2 =	seq.s32 s10, $0x1;
	s10 =	sld [smem:$0x3FB8]  }
0x3d: {  	_ =	shalt  }
0x3e: {  	_ =	shalt  }
0x3f: {  	_ =	shalt  }
0x40: {  	_ =	shalt  }
0x41: {  	_ =	shalt  }
0x42: {  	_ =	shalt  }
0x43: {  	_ =	shalt  }
0x44: {  	_ =	shalt  }
0x45: {  	_ =	shalt  }
0x46: {  	_ =	shalt  }
0x47: {  	_ =	shalt  }
0x48: {  	_ =	shalt  }
0x49: {  	_ =	shalt  }
0x4a: {  	_ =	shalt  }
0x4b: {  	_ =	shalt  }
0x4c: {  	_ =	shalt  }
0x4d: {  	_ =	shalt  }
0x4e: {  	_ =	shalt  }
0x4f: {  	_ =	shalt  }
0x50: {  	_ =	shalt  }
0x51: {  	_ =	shalt  }
0x52: {  	_ =	shalt  }
0x53: {  	_ =	shalt  }
0x54: {  	_ =	shalt  }
0x55: {  	_ =	shalt  }
0x56: {  	_ =	shalt  }
0x57: {  	_ =	shalt  }
0x58: {  	_ =	shalt  }
0x59: {  	_ =	shalt  }
0x5a: {  	_ =	shalt  }
0x5b: {  	_ =	shalt  }
0x5c: {  	_ =	shalt  }
0x5d: {  	_ =	shalt  }
0x5e: {  	_ =	shalt  }
0x5f: {  	_ =	shalt  }
0x60: {  	_ =	shalt  }
0x61: {  	_ =	shalt  }
0x62: {  	_ =	shalt  }
0x63: {  	_ =	shalt  }
0x64: {  	_ =	shalt  }
0x65: {  	_ =	shalt  }
0x66: {  	_ =	shalt  }
0x67: {  	_ =	shalt  }
0x68: {  	_ =	shalt  }
0x69: {  	_ =	shalt  }
0x6a: {  	_ =	shalt  }
0x6b: {  	_ =	shalt  }
0x6c: {  	_ =	shalt  }
0x6d: {  	_ =	shalt  }
0x6e: {  	_ =	shalt  }
0x6f: {  	_ =	shalt  }
0x70: {  	_ =	shalt  }
0x71: {  	_ =	shalt  }
0x72: {  	_ =	shalt  }
0x73: {  	_ =	shalt  }
0x74: {  	_ =	shalt  }
0x75: {  	_ =	shalt  }
0x76: {  	_ =	shalt  }
0x77: {  	_ =	shalt  }
0x78: {  	_ =	shalt  }
0x79: {  	_ =	shalt  }
0x7a: {  	_ =	shalt  }
0x7b: {  	_ =	shalt  }
0x7c: {  	_ =	shalt  }
0x7d: {  	_ =	shalt  }
0x7e: {  	_ =	shalt  }
0x7f: {  	_ =	shalt  }
0x80: {  	_ =	shalt  }
0x81: {  	_ =	shalt  }
0x82: {  	_ =	shalt  }
0x83: {  	_ =	shalt  }
0x84: {  	_ =	shalt  }
0x85: {  	_ =	shalt  }
0x86: {  	_ =	shalt  }
0x87: {  	_ =	shalt  }
.Lfunc_end0:
.L_simem_size_0:
called_computation_lowered:
.L_overlay_start_0:
0x88: {  	s2 =	sld [smem:$0x3FD9]  }
0x89: {  	s3 =	sld [smem:$0x3FFE];
	_ =	sdelay $0x1  }
0x8a: {  	s1 =	srdreg.scid  }
0x8b: {  	s0 =	sand.u32 $0x1, s1  }
0x8c: {  	s16 =	sshll.u32 s0, $0xA;
	s2 =	sadd.s32 s3, s2  }
0x8d: {  	s2 =	sadd.s32 s2, s16  }
0x8e: {  	[smem:$0x3FC4] =	sst s2  }
0x8f: {  	_ = 	snop  }
0x90: {  	(tm) =	ssettm $0x1  }
0x91: {  	s17 =	sld [smem:$0x3FFB];
	_ =	sdelay $0x3  }
0x92: {  	_ =	strace s17  }
0x93: {  	s2 =	sld [smem:$0x3FFC];
	_ =	sdelay $0x3  }
0x94: {  	_ =	strace s2  }
0x95: {  	s2 =	sld [smem:$0x3FFD];
	_ =	sdelay $0x3  }
0x96: {  	_ =	strace s2  }
0x97: {  	_ =	strace $0x8FFFFFFF  }
0x98: {  	s18 =	sld [smem:$0x3FDB];
	_ =	sdelay $0x1  }
0x99: {  	s19 =	simm.s32 $_scs_section_size  }
0x9a: {  	s4 =	simm.s32 $_size__tile_overlayer_lowered;
	s5 =	simm.s32 $_tile_overlayer_lowered  }
0x9b: {  	s22 =	simm.s32 $0x1BFF;
	s21 =	sshll.u32 s5, $0x1;
	s2 =	sadd.s32 s19, s18  }
0x9c: {  	s6 =	simm.s32 $0x0;
	s20 =	sshll.u32 s4, $0x1;
	s4 =	sadd.s32 s21, s2  }
0x9d: {  	[timem:s6], [sflag:s22] =	dma.local [hbm:s4], s20  }
0x9e: {  	_ =	swait.ge [sflag:s22], s20  }
0x9f: {  	s3 =	ssub.s32 $0x0, s20;
	[sflag:s22] =	ssyncset.done $0x0  }
0xa0: {  	[sflag:s22] =	ssyncadd.s32 s3;
	_ =	sdelay $0x1  }
0xa1: {  	s23 =	simm.s32 $0x1B8B  }
0xa2: {  	_ =	swait.ge [sflag:s23], $0x1  }
0xa3: {  	[sflag:s23] =	ssyncset.done $0x0  }
0xa4: {  	s25 =	simm.s32 $0x1B8E;
	s24 =	sld [smem:$0x3FFE];
	[sflag:s23] =	ssyncadd.s32 $0xFFFFFFFF  }
0xa5: {  	s26 =	simm.s32 $execute0_lowered;
	[smem:$0x3FD2] =	sst s25  }
0xa6: {  	s4 =	sshll.u32 s26, $0x1;
	_ =	strace $0x80000046;
	[dreg:$0x1] =	wrdreg $0xFFFFFFFF  }
0xa7: {  	s28 =	simm.s32 $_size_execute0_lowered;
	s2 =	sadd.s32 s2, s4;
	[dreg:$0x0] =	wrdreg $0x0  }
0xa8: {  	s4 =	sshll.u32 s28, $0x1;
	[dreg:$0x2] =	wrdreg s2  }
0xa9: {  	[dreg:$0x3] =	wrdreg s4  }
0xaa: {  	[dreg:$0x4] =	wrdreg $0xC0  }
0xab: {  	_ =	task [dreg:s6], $0x5FFFF  }
0xac: {  	[dreg:$0x1] =	wrdreg $0xFFFFFFFF  }
0xad: {  	[dreg:$0x0] =	wrdreg $0x60  }
0xae: {  	[dreg:$0x2] =	wrdreg s24  }
0xaf: {  	[dreg:$0x3] =	wrdreg $0x0  }
0xb0: {  	[dreg:$0x4] =	wrdreg $0x18800  }
0xb1: {  	[dreg:$0x5] =	wrdreg $0x9  }
0xb2: {  	_ =	task.clear_ibuf [dreg:s6], $0x6FFFF;
	_ =	strace $0x90000046  }
0xb3: {  	s29 =	simm.s32 $0x9;
	_ =	strace $0x80000048  }
0xb4: {  	_ =	swait.ge [sflag:s29], $0x1  }
0xb5: {  	[sflag:s29] =	ssyncadd.s32 $0xFFFFFFFF  }
0xb6: {  	_ =	strace $0x90000048  }
0xb7: {  	_ =	sfence  }
0xb8: {  	s30 =	sld [smem:$0x0];
	_ =	sdelay $0x2  }
0xb9: {  	s31 =	sshll.u32 s1, $0xD;
	s1 =	sshrl.u32 s1, $0x2  }
0xba: {  	s3 =	sand.u32 $0x4000, s31;
	s1 =	sadd.s32 s1, s30  }
0xbb: {  	s0 =	sor.u32 s3, s0;
	s1 =	sshll.u32 s1, $0x11  }
0xbc: {  	s0 =	sor.u32 s1, s0  }
0xbd: {  	s0 =	sadd.s32 $0x8F2B, s0  }
0xbe: {  	[sflag:s0] =	ssyncadd.remote.s32 $0x1  }
0xbf: {  	_ =	sfence.sel $0xFFFF  }
0xc0: {  	[dreg:$0x0] =	wrdreg $0xFFFFFFFF;
	(pc) =	sbr.abs _section_cstart, $3  }
0xc1: {  	[dreg:$0x1] =	wrdreg $0xFFFFFFFF  }
0xc2: {  	_ =	task.clear_ibuf [dreg:s6], $0x2FFFF;
	_ =	strace $0x9FFFFFFF  }
0xc3: {  	(tm) =	ssettm $0x7FFFFFFF  }
tec
execute0_lowered:
.L_overlay_start_1:
0x0: {  	(tag) =	ssettag $0x1  }
0x1: {  	s0 =	rddreg [dreg:$0x0]  }
0x2: {  	s2 =	rddreg [dreg:$0x1]  }
0x3: {  	s3 =	rddreg [dreg:$0x2]  }
0x4: {  	s11 =	stileid.u32;
	s4 =	simm.s32 $0x0;
	s18 =	srdreg.scid  }
0x5: {  	s17 =	simm.s32 $0x4980;
	s12 =	simm.s32 $0x7A80;
	s28 =	simm.s32 $0xD380  }
0x6: {  	s29 =	simm.s32 $0x1;
	s30 =	simm.s32 $0xDB80;
	s1 =	smul.u32 $0x1880, s11  }
0x7: {  	s31 =	simm.s32 $0xE380;
	[smem:$0x7FF] =	sst s4;
	s6 =	smul.u32 $0x6200, s11  }
0x8: {  	s4 =	sand.u32 $0x1, s18;
	s23 =	smul.u32 $0xC400, s11;
	s18 =	simm.s32 $0x3  }
0x9: {  	_ =	strace $0x80000047;
	s8 =	sshll.u32 s4, $0x7;
	s9 =	ssub.s32 $0x2, s4  }
0xa: {  	s4 =	sshll.u32 s4, $0x4;
	s5 =	sshrl.u32 s1, $0x3;
	s8 =	sor.u32 s8, s6  }
0xb: {  	s6 =	sadd.s32 $0x63000, s0;
	s10 =	sshrl.u32 s9, $0x1;
	s4 =	sor.u32 s11, s4  }
0xc: {  	s25 =	sshrl.u32 s23, $0x2;
	s23 =	simm.s32 $0xB380;
	s7 =	sadd.s32 s5, s0  }
0xd: {  	s19 =	ssub.s32 s9, s10;
	s10 =	sadd.s32 s1, s3;
	s1 =	sadd.s32 s1, s2  }
0xe: {  	s5 =	sadd.s32 $0x1000, s0;
	s20 =	sadd.s32 $0xCE600, s7;
	[dreg:$0x8] =	wrdreg s1  }
0xf: {  	s8 =	sshrl.u32 s8, $0x3;
	s21 =	sadd.s32 $0xC8200, s7;
	[dreg:$0x4] =	wrdreg s20  }
0x10: {  	s14 =	smul.u32 $0x18800, s4;
	s22 =	sadd.s32 $0xC5000, s7;
	[dreg:$0x5] =	wrdreg s21  }
0x11: {  	s4 =	simm.s32 $0x2;
	s7 =	sadd.s32 $0xCB400, s7;
	[dreg:$0x6] =	wrdreg s22  }
0x12: {  	s0 =	sadd.s32 s8, s0;
	s24 =	sadd.s32 $0x18800, s10;
	[dreg:$0x7] =	wrdreg s7  }
0x13: {  	s26 =	smax.u32 s19, $0x1;
	s1 =	simm.s32 $0xF380;
	[dreg:$0x9] =	wrdreg s24  }
0x14: {  	s0 =	sadd.s32 $0xD1800, s0;
	[dreg:$0xb] =	wrdreg s26;
	s22 =	simm.s32 $0xAB80  }
0x15: {  	s24 =	simm.s32 $0x800;
	s26 =	simm.s32 $0xCB80;
	s20 =	simm.s32 $0xEB80  }
0x16: {  	s21 =	simm.s32 $0xC380;
	[dreg:$0xa] =	wrdreg s0;
	s0 =	sadd.s32 s25, s3  }
0x17: {  	v0 =	vimm.f32 $0.0e+00;
	s7 =	simm.s32 $0x0;
	s25 =	sshrl.u32 s0, $0x3;
	s0 =	simm.s32 $0xBB80  }
.LBB2_1:
0x18: {  	s8 =	simm.s32 $0x0;
	s9 =	rddreg [dreg:$0x4]  }
0x19: {  	[tilespmem:s17], [sflag:$0x3] =	stream.linear.gather [hbm4b:s9+s8], $0x1880, $0x38;
	[tilespmem:$0xFB80] =	vst v63  }
0x1a: {  	_ =	swait.ge [sflag:s18], $0x1880  }
0x1b: {  	[sflag:s18] =	ssyncset.done $0x0  }
0x1c: {  	s19 =	rddreg [dreg:$0x5];
	[sflag:s18] =	ssyncadd.s32 $0xFFFFE780  }
0x1d: {  	[tilespmem:s12], [sflag:$0x3] =	stream.linear.gather [hbm4b:s19+s8], $0x1880, $0x38;
	[tilespmem:$0xFB80] =	vst v63  }
0x1e: {  	_ =	swait.ge [sflag:s18], $0x1880  }
0x1f: {  	[sflag:s18] =	ssyncset.done $0x0  }
0x20: {  	s8 =	simm.s32 $0x0;
	[sflag:s18] =	ssyncadd.s32 $0xFFFFE780  }
0x21: {  	v1 =	vld [tilespmem:s8+$0x7A80];
	_ =	sdelay $0x1  }
0x22: {  	v2 =	vld [tilespmem:s8+$0x4980];
	_ =	sdelay $0x2  }
0x23: {  	v1 =	vmul.f32 $5.000000000e-01, v1;
	_ =	sdelay $0x1  }
0x24: {  	s11 =	simm.s32 $0x10;
	s9 =	simm.s32 $0x80;
	v1 =	vadd.f32 v1, v2  }
.LBB2_2:
0x25: {  	p0 =	sne.s32 s9, $0x61C0;
	v2 =	vld [tilespmem:s11+$0x7A80]  }
0x26: {  	[tilespmem:s8+$0x4980] =	vst v1;
	s8 =	smov.u32 s11  }
0x27: {  	v1 =	vld [tilespmem:s8+$0x4980]  }
.Ltmp0:
0x28: {  	(pc) =	sbr.rel @p0 .LBB2_2-.Ltmp0, $3  }
0x29: {  	_ = 	snop  }
0x2a: {  	v2 =	vmul.f32 $5.000000000e-01, v2;
	_ =	sdelay $0x1  }
0x2b: {  	s11 =	sshra.s32 s9, $0x2;
	s9 =	sadd.s32 $0x40, s9;
	v1 =	vadd.f32 v2, v1  }
0x2c: {  	v2 =	vld [tilespmem:s11+$0x7A80]  }
0x2d: {  	[tilespmem:s8+$0x4980] =	vst v1  }
0x2e: {  	v1 =	vld [tilespmem:s11+$0x4980];
	_ =	sdelay $0x2  }
0x2f: {  	v2 =	vmul.f32 $5.000000000e-01, v2;
	_ =	sdelay $0x1  }
0x30: {  	v1 =	vadd.f32 v2, v1;
	_ =	sdelay $0x1  }
0x31: {  	s15 =	simm.s32 $0x0;
	s9 =	rddreg [dreg:$0x6];
	s16 =	simm.s32 $0x6200;
	[tilespmem:s11+$0x4980] =	vst v1  }
0x32: {  	[tilespmem:s16], [sflag:$0x3] =	stream.linear.gather [hbm4b:s9+s15], $0x1880, $0x38;
	[tilespmem:$0xFB80] =	vst v63  }
0x33: {  	_ =	swait.ge [sflag:s18], $0x1880  }
0x34: {  	[sflag:s18] =	ssyncset.done $0x0  }
0x35: {  	s19 =	rddreg [dreg:$0x7];
	[sflag:s18] =	ssyncadd.s32 $0xFFFFE780  }
0x36: {  	[tilespmem:s12], [sflag:$0x3] =	stream.linear.gather [hbm4b:s19+s15], $0x1880, $0x38;
	[tilespmem:$0xFB80] =	vst v63  }
0x37: {  	_ =	swait.ge [sflag:s18], $0x1880  }
0x38: {  	[sflag:s18] =	ssyncset.done $0x0  }
0x39: {  	s8 =	simm.s32 $0x0;
	[sflag:s18] =	ssyncadd.s32 $0xFFFFE780  }
0x3a: {  	v1 =	vld [tilespmem:s8+$0x7A80];
	_ =	sdelay $0x1  }
0x3b: {  	v2 =	vld [tilespmem:s8+$0x6200];
	_ =	sdelay $0x2  }
0x3c: {  	v1 =	vmul.f32 $5.000000000e-01, v1;
	_ =	sdelay $0x1  }
0x3d: {  	s11 =	simm.s32 $0x0;
	s9 =	simm.s32 $0x80;
	s12 =	simm.s32 $0x10;
	v1 =	vadd.f32 v1, v2  }
.LBB2_4:
0x3e: {  	p0 =	sne.s32 s9, $0x61C0;
	v2 =	vld [tilespmem:s12+$0x7A80]  }
0x3f: {  	[tilespmem:s11+$0x6200] =	vst v1;
	s11 =	smov.u32 s12  }
0x40: {  	v1 =	vld [tilespmem:s11+$0x6200]  }
.Ltmp1:
0x41: {  	(pc) =	sbr.rel @p0 .LBB2_4-.Ltmp1, $3  }
0x42: {  	_ = 	snop  }
0x43: {  	v2 =	vmul.f32 $5.000000000e-01, v2;
	_ =	sdelay $0x1  }
0x44: {  	s12 =	sshra.s32 s9, $0x2;
	s9 =	sadd.s32 $0x40, s9;
	v1 =	vadd.f32 v2, v1  }
0x45: {  	v2 =	vld [tilespmem:s12+$0x7A80]  }
0x46: {  	[tilespmem:s11+$0x6200] =	vst v1  }
0x47: {  	v1 =	vld [tilespmem:s12+$0x6200];
	_ =	sdelay $0x2  }
0x48: {  	v2 =	vmul.f32 $5.000000000e-01, v2;
	_ =	sdelay $0x1  }
0x49: {  	v1 =	vadd.f32 v2, v1;
	_ =	sdelay $0x1  }
0x4a: {  	[tilespmem:s12+$0x6200] =	vst v1  }
0x4b: {  	v1 =	vld [tilespmem:s8+$0x4980]  }
0x4c: {  	v2 =	vld [tilespmem:s8+$0x6200];
	_ =	sdelay $0x4  }
0x4d: {  	v3 =	vshrl.u32 v1, $0x10;
	v4 =	vshrl.u32 v2, $0x10  }
0x4e: {  	s9 =	simm.s32 $0x10;
	v3 =	vand.u32 $0x1, v3;
	v4 =	vand.u32 $0x1, v4  }
0x4f: {  	v3 =	vadd.s32 v3, v1;
	v2 =	vadd.s32 v4, v2;
	v1 =	vld [tilespmem:s9+$0x4980]  }
0x50: {  	v4 =	vadd.s32 $0x7FFF, v2;
	v2 =	vld [tilespmem:s9+$0x6200];
	_ =	sdelay $0x1  }
0x51: {  	v3 =	vadd.s32 $0x7FFF, v3  }
0x52: {  	s11 =	simm.s32 $0x80;
	v3 =	vshrl.u32 v3, $0x10;
	v4 =	vand.u32 $0xFFFF0000, v4  }
.LBB2_6:
0x53: {  	s12 =	sshra.s32 s11, $0x2;
	v7 =	vor.u32 v3, v4;
	v4 =	vmov v1;
	p0 =	sne.s32 s11, $0x61C0  }
.Ltmp2:
0x54: {  	s11 =	sadd.s32 $0x40, s11;
	v1 =	vld [tilespmem:s12+$0x4980];
	v5 =	vshrl.u32 v4, $0x10;
	v6 =	vshrl.u32 v2, $0x10;
	[tilespmem:s8+$0x9300] =	vst v7;
	v3 =	vmov v2;
	(pc) =	sbr.rel @p0 .LBB2_6-.Ltmp2, $4  }
0x55: {  	s8 =	smov.u32 s9;
	s9 =	smov.u32 s12;
	v2 =	vld [tilespmem:s12+$0x6200];
	v5 =	vand.u32 $0x1, v5;
	v6 =	vand.u32 $0x1, v6  }
0x56: {  	v4 =	vadd.s32 v5, v4;
	v3 =	vadd.s32 v6, v3  }
0x57: {  	v4 =	vadd.s32 $0x7FFF, v4;
	v5 =	vadd.s32 $0x7FFF, v3  }
0x58: {  	v3 =	vshrl.u32 v4, $0x10;
	v4 =	vand.u32 $0xFFFF0000, v5  }
0x59: {  	_ = 	snop  }
0x5a: {  	v5 =	vshrl.u32 v1, $0x10;
	v6 =	vshrl.u32 v2, $0x10  }
0x5b: {  	v5 =	vand.u32 $0x1, v5;
	v6 =	vand.u32 $0x1, v6  }
0x5c: {  	v1 =	vadd.s32 v5, v1;
	v2 =	vadd.s32 v6, v2  }
0x5d: {  	v1 =	vadd.s32 $0x7FFF, v1;
	v2 =	vadd.s32 $0x7FFF, v2  }
0x5e: {  	v3 =	vor.u32 v3, v4;
	v1 =	vshrl.u32 v1, $0x10;
	v2 =	vand.u32 $0xFFFF0000, v2  }
0x5f: {  	[tilespmem:s8+$0x9300] =	vst v3;
	v1 =	vor.u32 v1, v2  }
0x60: {  	s16 =	rddreg [dreg:$0x8];
	s19 =	simm.s32 $0x9300;
	[tilespmem:s9+$0x9300] =	vst v1  }
0x61: {  	[spmem:s16] =	stream.linear.scatter [tilespmem:s19], [sflag:$0x3], $0x1880, $0x38;
	[tilespmem:$0xFB80] =	vst v63  }
0x62: {  	_ =	swait.ge [sflag:s18], $0x1880  }
0x63: {  	[sflag:s18] =	ssyncset.done $0x0  }
0x64: {  	s8 =	simm.s32 $0x40;
	s9 =	simm.s32 $0x0;
	[sflag:s18] =	ssyncadd.s32 $0xFFFFE780  }
.LBB2_8:
0x65: {  	p0 =	sne.s32 s8, $0x61C0;
	[tilespmem:s9+$0x4980] =	vst v0;
	s9 =	smov.u32 s8;
	s8 =	sadd.s32 $0x40, s8  }
.Ltmp3:
0x66: {  	(pc) =	sbr.rel @p0 .LBB2_8-.Ltmp3, $2  }
0x67: {  	_ =	sdelay $0x2  }
0x68: {  	s9 =	sshra.s32 s9, $0x2  }
0x69: {  	[tilespmem:s9+$0x4980] =	vst v0  }
0x6a: {  	[spmem:s10] =	stream.linear.scatter [tilespmem:s17], [sflag:$0x3], $0x1880, $0x38;
	[tilespmem:$0xFB80] =	vst v63  }
0x6b: {  	_ =	swait.ge [sflag:s18], $0x1880  }
0x6c: {  	[sflag:s18] =	ssyncset.done $0x0  }
0x6d: {  	s8 =	rddreg [dreg:$0x9];
	[sflag:s18] =	ssyncadd.s32 $0xFFFFE780  }
0x6e: {  	[spmem:s8] =	stream.linear.scatter [tilespmem:s17], [sflag:$0x3], $0x1880, $0x38;
	[tilespmem:$0xFB80] =	vst v63  }
0x6f: {  	_ =	swait.ge [sflag:s18], $0x1880  }
0x70: {  	[sflag:s18] =	ssyncset.done $0x0  }
0x71: {  	[sflag:s18] =	ssyncadd.s32 $0xFFFFE780  }
0x72: {  	s9 =	simm.s32 $0x0;
	s8 =	simm.s32 $0x0;
	[bflag:$0x0] =	sbarrier.arrive $0xFFFF  }
.LBB2_10:
0x73: {  	s11 =	sshll.u32 s9, $0xB  }
0x74: {  	s11 =	sadd.s32 s14, s11  }
0x75: {  	s11 =	sshrl.u32 s11, $0x3  }
0x76: {  	s12 =	sadd.s32 s5, s11  }
0x77: {  	[tilespmem:s22], [sflag:$0x3] =	stream.linear.gather [hbm4b:s12+s8], $0x800, $0x38;
	[tilespmem:$0xFB80] =	vst v63  }
0x78: {  	_ =	swait.ge [sflag:s18], $0x800  }
0x79: {  	[sflag:s18] =	ssyncset.done $0x0  }
0x7a: {  	s11 =	sadd.s32 s6, s11;
	[sflag:s18] =	ssyncadd.s32 $0xFFFFF800  }
0x7b: {  	[tilespmem:s23], [sflag:$0x3] =	stream.linear.gather [hbm4b:s11+s8], $0x800, $0x38;
	[tilespmem:$0xFB80] =	vst v63  }
0x7c: {  	_ =	swait.ge [sflag:s18], $0x800  }
0x7d: {  	[sflag:s18] =	ssyncset.done $0x0  }
0x7e: {  	s11 =	simm.s32 $0x0;
	[sflag:s18] =	ssyncadd.s32 $0xFFFFF800  }
0x7f: {  	v1 =	vld [tilespmem:s11+$0xB380]  }
0x80: {  	s12 =	simm.s32 $0x40;
	v2 =	vld [tilespmem:s11+$0xAB80]  }
.LBB2_11:
0x81: {  	p0 =	sne.s32 s12, $0x1FC0  }
.Ltmp4:
0x82: {  	_ = 	snop;
	(pc) =	sbr.rel @p0 .LBB2_11-.Ltmp4, $4  }
0x83: {  	_ = 	snop  }
0x84: {  	s13 =	sshra.s32 s12, $0x2;
	s12 =	sadd.s32 $0x40, s12;
	v3 =	vadd.s32 $0x18800, v1  }
0x85: {  	v1 =	vld [tilespmem:s13+$0xB380];
	v4 =	vadd.s32 $0x18800, v2;
	[tilespmem:s11+$0xC380] =	vst v3  }
0x86: {  	v2 =	vld [tilespmem:s13+$0xAB80];
	[tilespmem:s11+$0xBB80] =	vst v4;
	s11 =	smov.u32 s13  }
0x87: {  	_ =	sdelay $0x2  }
0x88: {  	v1 =	vadd.s32 $0x18800, v1  }
0x89: {  	v2 =	vadd.s32 $0x18800, v2;
	[tilespmem:s11+$0xC380] =	vst v1  }
0x8a: {  	[tilespmem:s11+$0xBB80] =	vst v2  }
0x8b: {  	[tilespmem:s26], [sflag:$0x1] =	stream.indirect.gather [spmem:s2], $0x1, s22, s24, $0xb8;
	[tilespmem:$0xFB80] =	vst v63  }
0x8c: {  	_ = 	snop  }
0x8d: {  	[tilespmem:s28], [sflag:$0x1] =	stream.indirect.gather [spmem:s2], $0x1, s23, s24, $0xb8;
	[tilespmem:$0xFB80] =	vst v63  }
0x8e: {  	_ =	swait.ge [sflag:s29], $0x800  }
0x8f: {  	[sflag:s29] =	ssyncset.done $0x0  }
0x90: {  	[sflag:s29] =	ssyncadd.s32 $0xFFFFF800  }
0x91: {  	_ =	swait.ge [sflag:s29], $0x800  }
0x92: {  	[sflag:s29] =	ssyncset.done $0x0  }
0x93: {  	s13 =	simm.s32 $0x0;
	[sflag:s29] =	ssyncadd.s32 $0xFFFFF800  }
0x94: {  	v1 =	vld [tilespmem:s13+$0xCB80]  }
0x95: {  	v2 =	vld [tilespmem:s13+$0xD380];
	_ =	sdelay $0x3  }
0x96: {  	v3 =	vshll.u32 v1, $0x10  }
0x97: {  	s12 =	simm.s32 $0x10;
	v1 =	vand.u32 $0xFFFF0000, v1;
	v4 =	vshll.u32 v2, $0x10;
	v2 =	vand.u32 $0xFFFF0000, v2  }
0x98: {  	v6 =	vld [tilespmem:s12+$0xD380];
	v4 =	vsub.f32 v3, v4;
	v5 =	vsub.f32 v1, v2  }
0x99: {  	v1 =	vld [tilespmem:s12+$0xCB80]  }
0x9a: {  	v2 =	vmul.f32 v4, v4;
	v3 =	vmul.f32 v5, v5;
	_ =	sdelay $0x1  }
0x9b: {  	v2 =	vadd.f32 v3, v2  }
0x9c: {  	v7 =	vshll.u32 v6, $0x10;
	v6 =	vand.u32 $0xFFFF0000, v6  }
0x9d: {  	v3 =	vshll.u32 v1, $0x10;
	v1 =	vand.u32 $0xFFFF0000, v1;
	v2 =	vadd.f32 $9.999999770e-03, v2  }
0x9e: {  	v3 =	vsub.f32 v3, v7;
	v13 =	vsub.f32 v1, v6  }
0x9f: {  	v8 =	vld [tilespmem:s13+$0xAB80];
	(erf) = vrcp.f32 v2  }
0xa0: {  	s11 =	simm.s32 $0x20;
	v1 =	vld [tilespmem:s13+$0xB380];
	v6 =	vmul.f32 v3, v3;
	v9 =	vmul.f32 v13, v13  }
0xa1: {  	v7 =	vld [tilespmem:s11+$0xD380]  }
0xa2: {  	v2 =	vld [tilespmem:s11+$0xCB80];
	v6 =	vadd.f32 v9, v6;
	_ =	sdelay $0x1  }
0xa3: {  	v6 =	vadd.f32 $9.999999770e-03, v6;
	_ =	sdelay $0x1  }
0xa4: {  	v10 =	vand.u32 $0x7FFFFFFF, v5;
	vm0 =	vne.s32 v8, v1  }
0xa5: {  	v1 =	vshll.u32 v7, $0x10;
	v7 =	vand.u32 $0xFFFF0000, v7;
	v9 =	vshll.u32 v2, $0x10  }
0xa6: {  	v11 =	vld [tilespmem:s12+$0xB380];
	v2 =	vand.u32 $0xFFFF0000, v2;
	v1 =	vsub.f32 v9, v1;
	(erf) = vrcp.f32 v6;
	v6 =	vpop (erf)  }
0xa7: {  	s19 =	simm.s32 $0x30;
	v8 =	vld [tilespmem:s12+$0xAB80];
	v9 =	vand.u32 $0x7FFFFFFF, v4;
	v2 =	vsub.f32 v2, v7;
	v6 =	vmul.f32 $5.000000000e-01, v6  }
0xa8: {  	vm2 =	vlt.f32 v10, $2.000000000e+00;
	vm1 =	vlt.f32 v9, $2.000000000e+00;
	v9 =	vld [tilespmem:s19+$0xCB80];
	v7 =	vmul.f32 v1, v1  }
0xa9: {  	v10 =	vld [tilespmem:s19+$0xD380];
	vm1 =	vmand vm1, vm2;
	v12 =	vmul.f32 v2, v2;
	v5 =	vmul.f32 v6, v5  }
0xaa: {  	vm0 =	vmand vm0, vm1;
	v4 =	vmul.f32 v6, v4  }
0xab: {  	v14 =	vnsel vm0, $0x0, v5;
	v5 =	vadd.f32 v12, v7  }
0xac: {  	v7 =	vnsel vm0, $0x0, v4;
	v4 =	vsub.f32 $0.0e+00, v14  }
0xad: {  	v12 =	vshll.u32 v9, $0x10;
	vm0 =	vne.s32 v8, v11;
	[tilespmem:s13+$0xDB80] =	vst v7;
	v15 =	vadd.f32 $9.999999770e-03, v5  }
0xae: {  	v8 =	vand.u32 $0xFFFF0000, v10;
	v5 =	vshll.u32 v10, $0x10;
	v10 =	vand.u32 $0x7FFFFFFF, v3;
	[tilespmem:s13+$0xF380] =	vst v4  }
0xaf: {  	v4 =	vand.u32 $0xFFFF0000, v9;
	v5 =	vsub.f32 v12, v5;
	v9 =	vpop (erf);
	v6 =	vld [tilespmem:s11+$0xAB80];
	(erf) = vrcp.f32 v15;
	[tilespmem:s13+$0xEB80] =	vst v14  }
0xb0: {  	s15 =	simm.s32 $0x40;
	v4 =	vsub.f32 v4, v8;
	v14 =	vand.u32 $0x7FFFFFFF, v13;
	v11 =	vmul.f32 $5.000000000e-01, v9;
	v8 =	vld [tilespmem:s11+$0xB380]  }
0xb1: {  	vm1 =	vlt.f32 v10, $2.000000000e+00;
	v9 =	vld [tilespmem:s15+$0xCB80];
	v12 =	vmul.f32 v5, v5;
	vm2 =	vlt.f32 v14, $2.000000000e+00  }
0xb2: {  	s16 =	simm.s32 $0x140;
	v10 =	vld [tilespmem:s15+$0xD380];
	v14 =	vmul.f32 v4, v4;
	vm1 =	vmand vm1, vm2;
	v13 =	vmul.f32 v11, v13  }
.LBB2_13:
0xb3: {  	p0 =	sne.s32 s16, $0x1FC0;
	vm0 =	vmand vm0, vm1;
	v11 =	vmul.f32 v11, v3;
	v15 =	vsub.f32 $0.0e+00, v7;
	v3 =	vmovc v1;
	v1 =	vmovc v5  }
0xb4: {  	v5 =	vadd.f32 v14, v12;
	v12 =	vnsel vm0, $0x0, v13  }
0xb5: {  	v7 =	vnsel vm0, $0x0, v11;
	v11 =	vsub.f32 $0.0e+00, v12;
	[tilespmem:s13+$0xE380] =	vst v15;
	s13 =	smov.u32 s12;
	s12 =	smov.u32 s11;
	s11 =	smov.u32 s19  }
0xb6: {  	vm0 =	vne.s32 v6, v8;
	s19 =	smov.u32 s15;
	v13 =	vshll.u32 v9, $0x10;
	v14 =	vadd.f32 $9.999999770e-03, v5;
	[tilespmem:s13+$0xDB80] =	vst v7  }
.Ltmp5:
0xb7: {  	v6 =	vand.u32 $0xFFFF0000, v9;
	v5 =	vshll.u32 v10, $0x10;
	v8 =	vand.u32 $0xFFFF0000, v10;
	[tilespmem:s13+$0xF380] =	vst v11;
	(pc) =	sbr.rel @p0 .LBB2_13-.Ltmp5, $4  }
0xb8: {  	v5 =	vsub.f32 v13, v5;
	v15 =	vsub.f32 v6, v8;
	v6 =	vld [tilespmem:s11+$0xAB80];
	(erf) = vrcp.f32 v14;
	v9 =	vpop (erf);
	[tilespmem:s13+$0xEB80] =	vst v12  }
0xb9: {  	s15 =	sshra.s32 s16, $0x2;
	v10 =	vand.u32 $0x7FFFFFFF, v3;
	v13 =	vand.u32 $0x7FFFFFFF, v2;
	v8 =	vld [tilespmem:s11+$0xB380];
	v11 =	vmul.f32 $5.000000000e-01, v9  }
0xba: {  	vm1 =	vlt.f32 v10, $2.000000000e+00;
	vm2 =	vlt.f32 v13, $2.000000000e+00;
	v9 =	vld [tilespmem:s15+$0xCB80];
	v12 =	vmul.f32 v5, v5  }
0xbb: {  	s16 =	sadd.s32 $0x40, s16;
	v14 =	vmul.f32 v15, v15;
	vm1 =	vmand vm1, vm2;
	v10 =	vld [tilespmem:s15+$0xD380];
	v13 =	vmul.f32 v11, v2;
	v2 =	vmovc v4;
	v4 =	vmovc v15  }
0xbc: {  	_ =	sdelay $0x2  }
0xbd: {  	v12 =	vadd.f32 v14, v12;
	v41 =	vshll.u32 v9, $0x10  }
0xbe: {  	v42 =	vand.u32 $0xFFFF0000, v9;
	v15 =	vshll.u32 v10, $0x10;
	v43 =	vand.u32 $0xFFFF0000, v10  }
0xbf: {  	vm0 =	vmand vm0, vm1;
	v14 =	vsub.f32 v41, v15;
	v9 =	vsub.f32 v42, v43  }
0xc0: {  	v3 =	vmul.f32 v11, v3;
	v7 =	vsub.f32 $0.0e+00, v7;
	v50 =	vand.u32 $0x7FFFFFFF, v1  }
0xc1: {  	v44 =	vadd.f32 $9.999999770e-03, v12;
	v46 =	vmul.f32 v14, v14;
	v47 =	vmul.f32 v9, v9  }
0xc2: {  	v51 =	vand.u32 $0x7FFFFFFF, v2;
	v45 =	vnsel vm0, $0x0, v13;
	vm8 =	vlt.f32 v50, $2.000000000e+00  }
0xc3: {  	vm9 =	vlt.f32 v51, $2.000000000e+00;
	(erf) = vrcp.f32 v44;
	v49 =	vpop (erf);
	v12 =	vadd.f32 v47, v46  }
0xc4: {  	v3 =	vnsel vm0, $0x0, v3;
	v48 =	vsub.f32 $0.0e+00, v45;
	[tilespmem:s13+$0xE380] =	vst v7;
	v7 =	vmul.f32 $5.000000000e-01, v49  }
0xc5: {  	vm2 =	vne.s32 v6, v8;
	vm0 =	vmand vm8, vm9;
	v52 =	vadd.f32 $9.999999770e-03, v12  }
0xc6: {  	[tilespmem:s12+$0xDB80] =	vst v3;
	vm0 =	vmand vm2, vm0;
	v2 =	vmul.f32 v7, v2  }
0xc7: {  	v3 =	vsub.f32 $0.0e+00, v3;
	[tilespmem:s12+$0xF380] =	vst v48;
	v1 =	vmul.f32 v7, v1;
	(erf) = vrcp.f32 v52  }
0xc8: {  	v53 =	vld [tilespmem:s19+$0xAB80];
	[tilespmem:s12+$0xEB80] =	vst v45;
	v2 =	vnsel vm0, $0x0, v2  }
0xc9: {  	v54 =	vld [tilespmem:s19+$0xB380];
	[tilespmem:s12+$0xE380] =	vst v3;
	v1 =	vnsel vm0, $0x0, v1;
	v55 =	vsub.f32 $0.0e+00, v2  }
0xca: {  	[tilespmem:s11+$0xDB80] =	vst v1  }
0xcb: {  	v56 =	vand.u32 $0x7FFFFFFF, v5;
	v57 =	vand.u32 $0x7FFFFFFF, v4;
	[tilespmem:s11+$0xF380] =	vst v55  }
0xcc: {  	vm11 =	vlt.f32 v56, $2.000000000e+00;
	vm12 =	vlt.f32 v57, $2.000000000e+00;
	v3 =	vpop (erf);
	v7 =	vld [tilespmem:s15+$0xAB80];
	[tilespmem:s11+$0xEB80] =	vst v2  }
0xcd: {  	vm1 =	vmand vm11, vm12;
	v3 =	vmul.f32 $5.000000000e-01, v3;
	v2 =	vld [tilespmem:s15+$0xB380]  }
0xce: {  	v60 =	vand.u32 $0x7FFFFFFF, v14;
	v61 =	vand.u32 $0x7FFFFFFF, v9;
	vm10 =	vne.s32 v53, v54  }
0xcf: {  	v1 =	vsub.f32 $0.0e+00, v1;
	v58 =	vmul.f32 v3, v4;
	v3 =	vmul.f32 v3, v5  }
0xd0: {  	vm13 =	vlt.f32 v60, $2.000000000e+00;
	vm14 =	vlt.f32 v61, $2.000000000e+00;
	vm0 =	vmand vm10, vm1;
	v59 =	vpop (erf)  }
0xd1: {  	[tilespmem:s11+$0xE380] =	vst v1;
	v4 =	vnsel vm0, $0x0, v58;
	v3 =	vnsel vm0, $0x0, v3;
	v5 =	vmul.f32 $5.000000000e-01, v59  }
0xd2: {  	vm0 =	vmand vm13, vm14;
	v62 =	vsub.f32 $0.0e+00, v4;
	vm15 =	vne.s32 v7, v2;
	[tilespmem:s19+$0xDB80] =	vst v3  }
0xd3: {  	v3 =	vsub.f32 $0.0e+00, v3;
	[tilespmem:s19+$0xEB80] =	vst v4;
	v1 =	vmul.f32 v5, v9;
	v2 =	vmul.f32 v5, v14  }
0xd4: {  	vm0 =	vmand vm15, vm0;
	[tilespmem:s19+$0xF380] =	vst v62  }
0xd5: {  	[tilespmem:s19+$0xE380] =	vst v3;
	v1 =	vnsel vm0, $0x0, v1;
	v2 =	vnsel vm0, $0x0, v2  }
0xd6: {  	v63 =	vsub.f32 $0.0e+00, v1;
	[tilespmem:s15+$0xDB80] =	vst v2  }
0xd7: {  	v2 =	vsub.f32 $0.0e+00, v2;
	[tilespmem:s15+$0xEB80] =	vst v1  }
0xd8: {  	[tilespmem:s15+$0xF380] =	vst v63  }
0xd9: {  	[tilespmem:s15+$0xE380] =	vst v2  }
0xda: {  	[spmem:s3] =	stream.indirect.scatter.add.f32 [tilespmem:s30], [sflag:$0x2], $0x1, s22, s24, $0xb8;
	[tilespmem:$0xFB80] =	vst v63  }
0xdb: {  	_ = 	snop  }
0xdc: {  	[spmem:s3] =	stream.indirect.scatter.add.f32 [tilespmem:s31], [sflag:$0x2], $0x1, s23, s24, $0xb8;
	[tilespmem:$0xFB80] =	vst v63  }
0xdd: {  	_ = 	snop  }
0xde: {  	[spmem:s3] =	stream.indirect.scatter.add.f32 [tilespmem:s20], [sflag:$0x2], $0x1, s0, s24, $0xb8;
	[tilespmem:$0xFB80] =	vst v63  }
0xdf: {  	_ = 	snop  }
0xe0: {  	[spmem:s3] =	stream.indirect.scatter.add.f32 [tilespmem:s1], [sflag:$0x2], $0x1, s21, s24, $0xb8;
	[tilespmem:$0xFB80] =	vst v63  }
0xe1: {  	_ =	swait.ge [sflag:s4], $0x800  }
0xe2: {  	[sflag:s4] =	ssyncset.done $0x0  }
0xe3: {  	[sflag:s4] =	ssyncadd.s32 $0xFFFFF800  }
0xe4: {  	_ =	swait.ge [sflag:s4], $0x800  }
0xe5: {  	[sflag:s4] =	ssyncset.done $0x0  }
0xe6: {  	s9 =	sadd.s32 $0x1, s9;
	[sflag:s4] =	ssyncadd.s32 $0xFFFFF800  }
0xe7: {  	p0 =	sne.s32 s9, $0x31;
	_ =	swait.ge [sflag:s4], $0x800  }
.Ltmp6:
0xe8: {  	[sflag:s4] =	ssyncset.done $0x0;
	(pc) =	sbr.rel @p0 .LBB2_10-.Ltmp6, $4  }
0xe9: {  	[sflag:s4] =	ssyncadd.s32 $0xFFFFF800  }
0xea: {  	_ =	swait.ge [sflag:s4], $0x800  }
0xeb: {  	[sflag:s4] =	ssyncset.done $0x0  }
0xec: {  	[sflag:s4] =	ssyncadd.s32 $0xFFFFF800  }
0xed: {  	s8 =	stileid.u32  }
0xee: {  	[bflag:$0x0] =	sbarrier.arrive $0xFFFF;
	s11 =	simm.s32 $0x20;
	s8 =	sshll.u32 s8, $0x6  }
0xef: {  	s12 =	simm.s32 $0x10;
	s9 =	rddreg [dreg:$0xa];
	s8 =	sor.u32 $0x1C03, s8  }
0xf0: {  	[hbm:s9@s11], [sflag:s8] =	dma.strided [spmem:s25@s12], $0x620, s29, $0x10   }
0xf1: {  	_ =	swait.ge [sflag:s18], $0x620  }
0xf2: {  	s7 =	sadd.s32 $0x1, s7;
	s19 =	rddreg [dreg:$0xb]  }
0xf3: {  	p0 =	sne.s32 s7, s19  }
.Ltmp7:
0xf4: {  	_ = 	snop;
	(pc) =	sbr.rel @p0 .LBB2_1-.Ltmp7, $3  }
0xf5: {  	_ =	sdelay $0x1  }
0xf6: {  	[sflag:s18] =	ssyncset.done $0x0  }
0xf7: {  	s12 =	simm.s32 $0x7A80;
	[sflag:s18] =	ssyncadd.s32 $0xFFFFF9E0  }
0xf8: {  	_ =	sfence.sel $0x180000  }
0xf9: {  	[bflag:$0x0] =	sbarrier.arrive $0xFFFF  }
0xfa: {  	_ =	strace $0x90000047  }
0xfb: {  	s0 =	stileid.u32;
	[bflag:$0x2] =	sbarrier.arrive $0xFFFF  }
0xfc: {  	p0 =	sne.s32 s0, $0x0;
	s0 =	rddreg [dreg:$0x3]  }
0xfd: {  	s0 =	sadd.s32 @!p0 $0x100000, s0  }
0xfe: {  	[sflag:s0] =	ssyncadd.tile.s32 @!p0 $0x1;
	_ =	shalt  }
.Lfunc_end2:
_tile_overlayer_lowered:
.L_overlay_start_2:
0xff: {  	(tag) =	ssettag $0x2  }
0x100: {  	s0 =	rddreg [dreg:$0x0];
	s2 =	stileid.u32  }
0x101: {  	s1 =	rddreg [dreg:$0x1];
	p0 =	sne.s32 s2, $0x0  }
0x102: {  	s3 =	rddreg [dreg:$0x2];
	[bflag:$0x3] =	sbarrier.arrive $0xFFFF;
	s2 =	simm.s32 @!p0 $0x1C03  }
0x103: {  	[timem:s3], [sflag:s2] =	dma.local @!p0 [hbm:s0], s1  }
0x104: {  	s0 =	simm.s32 @!p0 $0x3  }
0x105: {  	_ =	swait.ge @!p0 [sflag:s0], s1  }
0x106: {  	s1 =	ssub.s32 @!p0 $0x0, s1;
	[sflag:s0] =	ssyncset.done @!p0 $0x0  }
0x107: {  	[sflag:s0] =	ssyncadd.s32 @!p0 s1  }
0x108: {  	[bflag:$0x3] =	sbarrier.arrive $0xFFFF  }
0x109: {  	_ =	shalt  }

</sc_bundles>
